<compile_context>
chip_gen: v7x
topology: tpu7x:2x2x1
jax: 0.10.2.dev20260603
libtpu: 0.0.44.dev20260713+nightly
codegen_flags: <defaults>
</compile_context>

<pallas_src>
import functools

import jax
import jax.numpy as jnp
from jax import lax
from jax.experimental import pallas as pl
from jax.experimental.pallas import tpu as pltpu
from jax.experimental.pallas import tpu_sc as plsc

NC = 2
NS = 16
NW = NC * NS

B = 16384
F = 26
DIM = 32
BLK = B // NW
QI = 128
NQ = BLK // QI
LANES = 16
NBUF = 3


def _fire_gathers(table_hbm, cidx_v, rows_v, gsem, f, buf):
    for q in range(NQ):
        pltpu.async_copy(
            table_hbm.at[cidx_v.at[f, pl.ds(q * QI, QI)]],
            rows_v.at[buf, pl.ds(q * QI, QI)],
            gsem,
        )


def _wait_gathers(table_hbm, cidx_v, rows_v, gsem, f, buf):
    for q in range(NQ):
        pltpu.make_async_copy(
            table_hbm.at[cidx_v.at[f, pl.ds(q * QI, QI)]],
            rows_v.at[buf, pl.ds(q * QI, QI)],
            gsem,
        ).wait()


def _body(xT_hbm, off_hbm, table_hbm, out_hbm, cidx_v, off_v, rows_v, gsem, ssem):
    wid = lax.axis_index("s") * NC + lax.axis_index("c")
    b0 = wid * BLK

    pltpu.sync_copy(xT_hbm.at[:, pl.ds(b0, BLK)], cidx_v)
    pltpu.sync_copy(off_hbm, off_v)

    def add_f(f, carry):
        off_row = off_v[f, :]

        def add_t(t, c2):
            sl = pl.ds(t * LANES, LANES)
            r = cidx_v[f, sl] + off_row
            cidx_v[f, sl] = ((r & (QROWS - 1)) << 2) + (r >> 18)
            return c2

        return lax.fori_loop(0, BLK // LANES, add_t, carry)

    lax.fori_loop(0, F, add_f, 0)

    for f in range(2):
        _fire_gathers(table_hbm, cidx_v, rows_v, gsem, f, f)

    def chunk_step(j, carry):
        cb = lax.rem(j, NBUF)

        @pl.when(j + 2 < F)
        def _stage_ahead():
            nb = lax.rem(j + 2, NBUF)

            @pl.when(j >= 1)
            def _drain_store():
                pltpu.make_async_copy(
                    rows_v.at[0], out_hbm.at[0, pl.ds(b0, BLK)], ssem
                ).wait()

            _fire_gathers(table_hbm, cidx_v, rows_v, gsem, j + 2, nb)

        _wait_gathers(table_hbm, cidx_v, rows_v, gsem, j, cb)
        pltpu.async_copy(rows_v.at[cb], out_hbm.at[j, pl.ds(b0, BLK)], ssem)
        return carry

    lax.fori_loop(0, F, chunk_step, 0)

    for _ in range(NBUF):
        pltpu.make_async_copy(
            rows_v.at[0], out_hbm.at[0, pl.ds(b0, BLK)], ssem
        ).wait()


TROWS = 1048576
QROWS = TROWS // 4
TBLK = 8192
TGRID = QROWS // TBLK


def _untile_body(x0_ref, x1_ref, x2_ref, x3_ref, o_ref):
    o_ref[...] = jnp.concatenate(
        [jnp.transpose(x0_ref[...]), jnp.transpose(x1_ref[...]),
         jnp.transpose(x2_ref[...]), jnp.transpose(x3_ref[...])],
        axis=1,
    )


MAXBLK = (1040002 - 1) // TBLK


def _quarter_spec(k):
    return pl.BlockSpec(
        (DIM, TBLK), lambda i, k=k: (0, jnp.minimum(k * TGRID + i, MAXBLK))
    )


def _untile(tableT):
    return pl.pallas_call(
        _untile_body,
        grid=(TGRID,),
        in_specs=[_quarter_spec(k) for k in range(4)],
        out_specs=pl.BlockSpec((TBLK, 128), lambda i: (i, 0)),
        out_shape=jax.ShapeDtypeStruct((QROWS, 128), jnp.float32),
    )(tableT, tableT, tableT, tableT)


@jax.jit
def _run(xT, off_bcast, table):
    mesh = plsc.VectorSubcoreMesh(
        core_axis_name="c", subcore_axis_name="s", num_cores=NC, num_subcores=NS
    )
    table_lin = _untile(table.T).reshape(TROWS, DIM)
    fn = pl.kernel(
        _body,
        out_type=jax.ShapeDtypeStruct((F, B, DIM), jnp.float32),
        mesh=mesh,
        scratch_types=[
            pltpu.VMEM((F, BLK), jnp.int32),
            pltpu.VMEM((F, LANES), jnp.int32),
            pltpu.VMEM((NBUF, BLK, DIM), jnp.float32),
            pltpu.SemaphoreType.DMA,
            pltpu.SemaphoreType.DMA,
        ],
        compiler_params=pltpu.CompilerParams(use_tc_tiling_on_sc=False),
    )
    return fn(xT, off_bcast, table_lin)


def kernel(x_categ, table, offsets):
    xT = x_categ.astype(jnp.int32).T
    off_bcast = jnp.broadcast_to(
        offsets.astype(jnp.int32)[:, None], (F, LANES)
    )
    out2 = _run(xT, off_bcast, table)
    return out2.transpose(1, 0, 2)

# --- scband reference (transcript-rebuilt; emitter-appended) ---
"""Pipeline reference for scband-categorical-embedder-58763742544614 (READ-ONLY COPY).

The authoritative reference and input builder live on the scoring server;
editing this copy changes nothing except your own understanding.
"""

import jax, jax.numpy as jnp
import numpy as np

CATEGORIES = [40000] * 26
DIM = 32
NUM_SPECIAL = 2
TOTAL_TOKENS = sum(CATEGORIES) + NUM_SPECIAL


def _make_offsets():
    # F.pad(categories, (1,0), value=num_special_tokens).cumsum()[:-1]
    padded = np.concatenate([[NUM_SPECIAL], np.array(CATEGORIES, dtype=np.int64)])
    return jnp.asarray(np.cumsum(padded)[:-1], dtype=jnp.int64)


def setup_inputs(seed: int = 0) -> dict:
    key = jax.random.key(seed)
    k1, k2 = jax.random.split(key)
    x_categ = jax.random.randint(k1, (16384, 26), 0, 40000, dtype=jnp.int64)
    table = jax.random.normal(k2, (TOTAL_TOKENS, DIM), dtype=jnp.float32)
    offsets = _make_offsets()
    return {"x_categ": x_categ, "table": table, "offsets": offsets}


def reference(x_categ, table, offsets):
    # x_categ: int64[B, F]; offsets: int64[F]; table: float32[total_tokens, dim]
    shifted = x_categ + offsets[None, :]
    return jnp.take(table, shifted, axis=0)

if __name__ == "__main__":
    import jax
    _d = setup_inputs()
    print(jax.jit(kernel)(*tuple(_d.values())))

</pallas_src>

<mosaic_0001>
#map = affine_map<(d0, d1) -> (0, 0)>
#map1 = affine_map<(d0, d1) -> (0, 0, 0)>
module attributes {stable_mosaic.version = 14 : i64} {
  func.func @_body(%arg0: i32, %arg1: i32, %arg2: memref<26x16384xi32, #tpu.memory_space<hbm>>, %arg3: memref<26x16xi32, #tpu.memory_space<hbm>>, %arg4: memref<1048576x32xf32, #tpu.memory_space<hbm>>, %arg5: memref<26x16384x32xf32, #tpu.memory_space<hbm>>, %arg6: memref<26x512xi32, #tpu.memory_space<vmem>>, %arg7: memref<26x16xi32, #tpu.memory_space<vmem>>, %arg8: memref<3x512x32xf32, #tpu.memory_space<vmem>>, %arg9: memref<!tpu.dma_semaphore, #tpu.memory_space<semaphore_mem>>, %arg10: memref<!tpu.dma_semaphore, #tpu.memory_space<semaphore_mem>>) attributes {dimension_semantics = [#tpu.dimension_semantics<core_parallel>, #tpu.dimension_semantics<subcore_parallel>], iteration_bounds = array<i64: 2, 16>, scalar_prefetch = 0 : i64, scratch_operands = 5 : i64, tpu.core_type = #tpu.core_type<sc_vector_subcore>, window_params = [{transform_indices = #map}, {transform_indices = #map}, {transform_indices = #map}, {transform_indices = #map1}]} {
    %mul3A = arith.constant 2 : i32
    %mul3A_0 = arith.muli %arg1, %mul3A : i32
    %add3A = arith.addi %mul3A_0, %arg0 : i32
    %mul3A_1 = arith.constant 512 : i32
    %mul3A_2 = arith.muli %add3A, %mul3A_1 : i32
    "tpu.region"() ({
      %run_scoped3A = tpu.sem_alloc : memref<!tpu.dma_semaphore, #tpu.memory_space<semaphore_mem>>
      %dma_start3A_156 = arith.constant 0 : i32
      %dma_start3A_157 = tpu.memref_slice %arg2[%dma_start3A_156, %mul3A_2] : memref<26x16384xi32, #tpu.memory_space<hbm>> -> memref<26x512xi32, #tpu.memory_space<hbm>>
      %dma_start3A_158 = arith.constant 0 : i32
      %dma_start3A_159 = tpu.memref_slice %arg2[%dma_start3A_158, %mul3A_2] : memref<26x16384xi32, #tpu.memory_space<hbm>> -> memref<26x512xi32, #tpu.memory_space<hbm>>
      tpu.enqueue_dma source(%dma_start3A_159 : memref<26x512xi32, #tpu.memory_space<hbm>>) target(%arg6 : memref<26x512xi32, #tpu.memory_space<vmem>>) target_semaphore(%run_scoped3A : memref<!tpu.dma_semaphore, #tpu.memory_space<semaphore_mem>>)
      %dma_wait3A_160 = arith.constant 0 : i32
      %dma_wait3A_161 = tpu.memref_slice %arg2[%dma_wait3A_160, %mul3A_2] : memref<26x16384xi32, #tpu.memory_space<hbm>> -> memref<26x512xi32, #tpu.memory_space<hbm>>
      %dma_wait3A_162 = arith.constant 0 : i32
      %dma_wait3A_163 = tpu.memref_slice %arg2[%dma_wait3A_162, %mul3A_2] : memref<26x16384xi32, #tpu.memory_space<hbm>> -> memref<26x512xi32, #tpu.memory_space<hbm>>
      tpu.wait_dma2 semaphore(%run_scoped3A : memref<!tpu.dma_semaphore, #tpu.memory_space<semaphore_mem>>) src(%dma_wait3A_163 : memref<26x512xi32, #tpu.memory_space<hbm>>) dst(%arg6 : memref<26x512xi32, #tpu.memory_space<vmem>>)
      tpu.yield
    }) : () -> ()
    "tpu.region"() ({
      %run_scoped3A = tpu.sem_alloc : memref<!tpu.dma_semaphore, #tpu.memory_space<semaphore_mem>>
      tpu.enqueue_dma source(%arg3 : memref<26x16xi32, #tpu.memory_space<hbm>>) target(%arg7 : memref<26x16xi32, #tpu.memory_space<vmem>>) target_semaphore(%run_scoped3A : memref<!tpu.dma_semaphore, #tpu.memory_space<semaphore_mem>>)
      tpu.wait_dma2 semaphore(%run_scoped3A : memref<!tpu.dma_semaphore, #tpu.memory_space<semaphore_mem>>) src(%arg3 : memref<26x16xi32, #tpu.memory_space<hbm>>) dst(%arg7 : memref<26x16xi32, #tpu.memory_space<vmem>>)
      tpu.yield
    }) : () -> ()
    %scan3A = arith.constant 0 : i32
    %scan3A_3 = arith.constant 0 : i32
    %scan3A_4 = arith.constant 26 : i32
    %scan3A_5 = arith.addi %scan3A_3, %scan3A_4 : i32
    %scan3A_6 = arith.constant 1 : i32
    scf.for %scan3A_156 = %scan3A_3 to %scan3A_5 step %scan3A_6  : i32 {
      %get3A = arith.index_cast %scan3A_156 : i32 to index
      %get3A_157 = arith.constant 0 : index
      %get3A_158 = tpu.vector_load %arg7[%get3A, %get3A_157] {strides = array<i32>} : memref<26x16xi32, #tpu.memory_space<vmem>>, vector<1x16xi32>,
      %get3A_159 = vector.shape_cast %get3A_158 : vector<1x16xi32> to vector<16xi32>
      %scan3A_160 = arith.constant 0 : i32
      %scan3A_161 = arith.constant 32 : i32
      %scan3A_162 = arith.addi %scan3A_160, %scan3A_161 : i32
      %scan3A_163 = arith.constant 1 : i32
      scf.for %scan3A_165 = %scan3A_160 to %scan3A_162 step %scan3A_163  : i32 {
        %mul3A_166 = arith.constant 16 : i32
        %mul3A_167 = arith.muli %scan3A_165, %mul3A_166 : i32
        %get3A_168 = arith.index_cast %scan3A_156 : i32 to index
        %get3A_169 = arith.index_cast %mul3A_167 : i32 to index
        %get3A_170 = tpu.vector_load %arg6[%get3A_168, %get3A_169] {strides = array<i32>} : memref<26x512xi32, #tpu.memory_space<vmem>>, vector<1x16xi32>,
        %get3A_171 = vector.shape_cast %get3A_170 : vector<1x16xi32> to vector<16xi32>
        %add3A_172 = arith.addi %get3A_171, %get3A_159 : vector<16xi32>
        %and3A = arith.constant 262143 : i32
        %and3A_173 = vector.broadcast %and3A : i32 to vector<16xi32>
        %and3A_174 = arith.andi %add3A_172, %and3A_173 : vector<16xi32>
        %shift_left3A = arith.constant 2 : i32
        %shift_left3A_175 = vector.broadcast %shift_left3A : i32 to vector<16xi32>
        %shift_left3A_176 = arith.shli %and3A_174, %shift_left3A_175 : vector<16xi32>
        %shift_right_arithmetic3A = arith.constant 18 : i32
        %shift_right_arithmetic3A_177 = vector.broadcast %shift_right_arithmetic3A : i32 to vector<16xi32>
        %shift_right_arithmetic3A_178 = arith.shrsi %add3A_172, %shift_right_arithmetic3A_177 : vector<16xi32>
        %add3A_179 = arith.addi %shift_left3A_176, %shift_right_arithmetic3A_178 : vector<16xi32>
        %swap3A = arith.index_cast %scan3A_156 : i32 to index
        %swap3A_180 = arith.index_cast %mul3A_167 : i32 to index
        %swap3A_181 = tpu.vector_load %arg6[%swap3A, %swap3A_180] {strides = array<i32>} : memref<26x512xi32, #tpu.memory_space<vmem>>, vector<1x16xi32>,
        %swap3A_182 = vector.shape_cast %swap3A_181 : vector<1x16xi32> to vector<16xi32>
        %swap3A_183 = vector.shape_cast %add3A_179 : vector<16xi32> to vector<1x16xi32>
        tpu.vector_store %arg6[%swap3A, %swap3A_180], %swap3A_183 {strides = array<i32>} : memref<26x512xi32, #tpu.memory_space<vmem>>, vector<1x16xi32>,
      }
      %scan3A_164 = arith.constant 32 : i32
    }
    %scan3A_7 = arith.constant 26 : i32
    %dma_start3A = arith.constant 0 : i32
    %dma_start3A_8 = arith.constant 0 : i32
    %dma_start3A_9 = arith.constant 0 : i32
    %dma_start3A_10 = arith.constant 0 : i32
    %dma_start3A_11 = tpu.memref_slice %arg8[%dma_start3A_8, %dma_start3A_9, %dma_start3A_10] : memref<3x512x32xf32, #tpu.memory_space<vmem>> -> memref<1x128x32xf32, #tpu.memory_space<vmem>>
    %dma_start3A_12 = tpu.memref_squeeze %dma_start3A_11 : memref<1x128x32xf32, #tpu.memory_space<vmem>> -> memref<128x32xf32, #tpu.memory_space<vmem>>
    %dma_start3A_13 = arith.constant 0 : i32
    %dma_start3A_14 = tpu.memref_slice %arg6[%dma_start3A, %dma_start3A_13] : memref<26x512xi32, #tpu.memory_space<vmem>> -> memref<1x128xi32, #tpu.memory_space<vmem>>
    %dma_start3A_15 = tpu.memref_squeeze %dma_start3A_14 : memref<1x128xi32, #tpu.memory_space<vmem>> -> memref<128xi32, #tpu.memory_space<vmem>>
    %dma_start3A_16 = arith.constant 0 : i32
    %dma_start3A_17 = arith.constant 0 : i32
    %dma_start3A_18 = tpu.memref_slice %arg4[%dma_start3A_16, %dma_start3A_17] : memref<1048576x32xf32, #tpu.memory_space<hbm>> -> memref<1048576x32xf32, #tpu.memory_space<hbm>>
    tpu.enqueue_indirect_dma source(%dma_start3A_18 : memref<1048576x32xf32, #tpu.memory_space<hbm>>) target(%dma_start3A_12 : memref<128x32xf32, #tpu.memory_space<vmem>>) offsets(%dma_start3A_15 : memref<128xi32, #tpu.memory_space<vmem>>) semaphore(%arg9 : memref<!tpu.dma_semaphore, #tpu.memory_space<semaphore_mem>>)
    %dma_start3A_19 = arith.constant 0 : i32
    %dma_start3A_20 = arith.constant 0 : i32
    %dma_start3A_21 = arith.constant 128 : i32
    %dma_start3A_22 = arith.constant 0 : i32
    %dma_start3A_23 = tpu.memref_slice %arg8[%dma_start3A_20, %dma_start3A_21, %dma_start3A_22] : memref<3x512x32xf32, #tpu.memory_space<vmem>> -> memref<1x128x32xf32, #tpu.memory_space<vmem>>
    %dma_start3A_24 = tpu.memref_squeeze %dma_start3A_23 : memref<1x128x32xf32, #tpu.memory_space<vmem>> -> memref<128x32xf32, #tpu.memory_space<vmem>>
    %dma_start3A_25 = arith.constant 128 : i32
    %dma_start3A_26 = tpu.memref_slice %arg6[%dma_start3A_19, %dma_start3A_25] : memref<26x512xi32, #tpu.memory_space<vmem>> -> memref<1x128xi32, #tpu.memory_space<vmem>>
    %dma_start3A_27 = tpu.memref_squeeze %dma_start3A_26 : memref<1x128xi32, #tpu.memory_space<vmem>> -> memref<128xi32, #tpu.memory_space<vmem>>
    %dma_start3A_28 = arith.constant 0 : i32
    %dma_start3A_29 = arith.constant 0 : i32
    %dma_start3A_30 = tpu.memref_slice %arg4[%dma_start3A_28, %dma_start3A_29] : memref<1048576x32xf32, #tpu.memory_space<hbm>> -> memref<1048576x32xf32, #tpu.memory_space<hbm>>
    tpu.enqueue_indirect_dma source(%dma_start3A_30 : memref<1048576x32xf32, #tpu.memory_space<hbm>>) target(%dma_start3A_24 : memref<128x32xf32, #tpu.memory_space<vmem>>) offsets(%dma_start3A_27 : memref<128xi32, #tpu.memory_space<vmem>>) semaphore(%arg9 : memref<!tpu.dma_semaphore, #tpu.memory_space<semaphore_mem>>)
    %dma_start3A_31 = arith.constant 0 : i32
    %dma_start3A_32 = arith.constant 0 : i32
    %dma_start3A_33 = arith.constant 256 : i32
    %dma_start3A_34 = arith.constant 0 : i32
    %dma_start3A_35 = tpu.memref_slice %arg8[%dma_start3A_32, %dma_start3A_33, %dma_start3A_34] : memref<3x512x32xf32, #tpu.memory_space<vmem>> -> memref<1x128x32xf32, #tpu.memory_space<vmem>>
    %dma_start3A_36 = tpu.memref_squeeze %dma_start3A_35 : memref<1x128x32xf32, #tpu.memory_space<vmem>> -> memref<128x32xf32, #tpu.memory_space<vmem>>
    %dma_start3A_37 = arith.constant 256 : i32
    %dma_start3A_38 = tpu.memref_slice %arg6[%dma_start3A_31, %dma_start3A_37] : memref<26x512xi32, #tpu.memory_space<vmem>> -> memref<1x128xi32, #tpu.memory_space<vmem>>
    %dma_start3A_39 = tpu.memref_squeeze %dma_start3A_38 : memref<1x128xi32, #tpu.memory_space<vmem>> -> memref<128xi32, #tpu.memory_space<vmem>>
    %dma_start3A_40 = arith.constant 0 : i32
    %dma_start3A_41 = arith.constant 0 : i32
    %dma_start3A_42 = tpu.memref_slice %arg4[%dma_start3A_40, %dma_start3A_41] : memref<1048576x32xf32, #tpu.memory_space<hbm>> -> memref<1048576x32xf32, #tpu.memory_space<hbm>>
    tpu.enqueue_indirect_dma source(%dma_start3A_42 : memref<1048576x32xf32, #tpu.memory_space<hbm>>) target(%dma_start3A_36 : memref<128x32xf32, #tpu.memory_space<vmem>>) offsets(%dma_start3A_39 : memref<128xi32, #tpu.memory_space<vmem>>) semaphore(%arg9 : memref<!tpu.dma_semaphore, #tpu.memory_space<semaphore_mem>>)
    %dma_start3A_43 = arith.constant 0 : i32
    %dma_start3A_44 = arith.constant 0 : i32
    %dma_start3A_45 = arith.constant 384 : i32
    %dma_start3A_46 = arith.constant 0 : i32
    %dma_start3A_47 = tpu.memref_slice %arg8[%dma_start3A_44, %dma_start3A_45, %dma_start3A_46] : memref<3x512x32xf32, #tpu.memory_space<vmem>> -> memref<1x128x32xf32, #tpu.memory_space<vmem>>
    %dma_start3A_48 = tpu.memref_squeeze %dma_start3A_47 : memref<1x128x32xf32, #tpu.memory_space<vmem>> -> memref<128x32xf32, #tpu.memory_space<vmem>>
    %dma_start3A_49 = arith.constant 384 : i32
    %dma_start3A_50 = tpu.memref_slice %arg6[%dma_start3A_43, %dma_start3A_49] : memref<26x512xi32, #tpu.memory_space<vmem>> -> memref<1x128xi32, #tpu.memory_space<vmem>>
    %dma_start3A_51 = tpu.memref_squeeze %dma_start3A_50 : memref<1x128xi32, #tpu.memory_space<vmem>> -> memref<128xi32, #tpu.memory_space<vmem>>
    %dma_start3A_52 = arith.constant 0 : i32
    %dma_start3A_53 = arith.constant 0 : i32
    %dma_start3A_54 = tpu.memref_slice %arg4[%dma_start3A_52, %dma_start3A_53] : memref<1048576x32xf32, #tpu.memory_space<hbm>> -> memref<1048576x32xf32, #tpu.memory_space<hbm>>
    tpu.enqueue_indirect_dma source(%dma_start3A_54 : memref<1048576x32xf32, #tpu.memory_space<hbm>>) target(%dma_start3A_48 : memref<128x32xf32, #tpu.memory_space<vmem>>) offsets(%dma_start3A_51 : memref<128xi32, #tpu.memory_space<vmem>>) semaphore(%arg9 : memref<!tpu.dma_semaphore, #tpu.memory_space<semaphore_mem>>)
    %dma_start3A_55 = arith.constant 1 : i32
    %dma_start3A_56 = arith.constant 1 : i32
    %dma_start3A_57 = arith.constant 0 : i32
    %dma_start3A_58 = arith.constant 0 : i32
    %dma_start3A_59 = tpu.memref_slice %arg8[%dma_start3A_56, %dma_start3A_57, %dma_start3A_58] : memref<3x512x32xf32, #tpu.memory_space<vmem>> -> memref<1x128x32xf32, #tpu.memory_space<vmem>>
    %dma_start3A_60 = tpu.memref_squeeze %dma_start3A_59 : memref<1x128x32xf32, #tpu.memory_space<vmem>> -> memref<128x32xf32, #tpu.memory_space<vmem>>
    %dma_start3A_61 = arith.constant 0 : i32
    %dma_start3A_62 = tpu.memref_slice %arg6[%dma_start3A_55, %dma_start3A_61] : memref<26x512xi32, #tpu.memory_space<vmem>> -> memref<1x128xi32, #tpu.memory_space<vmem>>
    %dma_start3A_63 = tpu.memref_squeeze %dma_start3A_62 : memref<1x128xi32, #tpu.memory_space<vmem>> -> memref<128xi32, #tpu.memory_space<vmem>>
    %dma_start3A_64 = arith.constant 0 : i32
    %dma_start3A_65 = arith.constant 0 : i32
    %dma_start3A_66 = tpu.memref_slice %arg4[%dma_start3A_64, %dma_start3A_65] : memref<1048576x32xf32, #tpu.memory_space<hbm>> -> memref<1048576x32xf32, #tpu.memory_space<hbm>>
    tpu.enqueue_indirect_dma source(%dma_start3A_66 : memref<1048576x32xf32, #tpu.memory_space<hbm>>) target(%dma_start3A_60 : memref<128x32xf32, #tpu.memory_space<vmem>>) offsets(%dma_start3A_63 : memref<128xi32, #tpu.memory_space<vmem>>) semaphore(%arg9 : memref<!tpu.dma_semaphore, #tpu.memory_space<semaphore_mem>>)
    %dma_start3A_67 = arith.constant 1 : i32
    %dma_start3A_68 = arith.constant 1 : i32
    %dma_start3A_69 = arith.constant 128 : i32
    %dma_start3A_70 = arith.constant 0 : i32
    %dma_start3A_71 = tpu.memref_slice %arg8[%dma_start3A_68, %dma_start3A_69, %dma_start3A_70] : memref<3x512x32xf32, #tpu.memory_space<vmem>> -> memref<1x128x32xf32, #tpu.memory_space<vmem>>
    %dma_start3A_72 = tpu.memref_squeeze %dma_start3A_71 : memref<1x128x32xf32, #tpu.memory_space<vmem>> -> memref<128x32xf32, #tpu.memory_space<vmem>>
    %dma_start3A_73 = arith.constant 128 : i32
    %dma_start3A_74 = tpu.memref_slice %arg6[%dma_start3A_67, %dma_start3A_73] : memref<26x512xi32, #tpu.memory_space<vmem>> -> memref<1x128xi32, #tpu.memory_space<vmem>>
    %dma_start3A_75 = tpu.memref_squeeze %dma_start3A_74 : memref<1x128xi32, #tpu.memory_space<vmem>> -> memref<128xi32, #tpu.memory_space<vmem>>
    %dma_start3A_76 = arith.constant 0 : i32
    %dma_start3A_77 = arith.constant 0 : i32
    %dma_start3A_78 = tpu.memref_slice %arg4[%dma_start3A_76, %dma_start3A_77] : memref<1048576x32xf32, #tpu.memory_space<hbm>> -> memref<1048576x32xf32, #tpu.memory_space<hbm>>
    tpu.enqueue_indirect_dma source(%dma_start3A_78 : memref<1048576x32xf32, #tpu.memory_space<hbm>>) target(%dma_start3A_72 : memref<128x32xf32, #tpu.memory_space<vmem>>) offsets(%dma_start3A_75 : memref<128xi32, #tpu.memory_space<vmem>>) semaphore(%arg9 : memref<!tpu.dma_semaphore, #tpu.memory_space<semaphore_mem>>)
    %dma_start3A_79 = arith.constant 1 : i32
    %dma_start3A_80 = arith.constant 1 : i32
    %dma_start3A_81 = arith.constant 256 : i32
    %dma_start3A_82 = arith.constant 0 : i32
    %dma_start3A_83 = tpu.memref_slice %arg8[%dma_start3A_80, %dma_start3A_81, %dma_start3A_82] : memref<3x512x32xf32, #tpu.memory_space<vmem>> -> memref<1x128x32xf32, #tpu.memory_space<vmem>>
    %dma_start3A_84 = tpu.memref_squeeze %dma_start3A_83 : memref<1x128x32xf32, #tpu.memory_space<vmem>> -> memref<128x32xf32, #tpu.memory_space<vmem>>
    %dma_start3A_85 = arith.constant 256 : i32
    %dma_start3A_86 = tpu.memref_slice %arg6[%dma_start3A_79, %dma_start3A_85] : memref<26x512xi32, #tpu.memory_space<vmem>> -> memref<1x128xi32, #tpu.memory_space<vmem>>
    %dma_start3A_87 = tpu.memref_squeeze %dma_start3A_86 : memref<1x128xi32, #tpu.memory_space<vmem>> -> memref<128xi32, #tpu.memory_space<vmem>>
    %dma_start3A_88 = arith.constant 0 : i32
    %dma_start3A_89 = arith.constant 0 : i32
    %dma_start3A_90 = tpu.memref_slice %arg4[%dma_start3A_88, %dma_start3A_89] : memref<1048576x32xf32, #tpu.memory_space<hbm>> -> memref<1048576x32xf32, #tpu.memory_space<hbm>>
    tpu.enqueue_indirect_dma source(%dma_start3A_90 : memref<1048576x32xf32, #tpu.memory_space<hbm>>) target(%dma_start3A_84 : memref<128x32xf32, #tpu.memory_space<vmem>>) offsets(%dma_start3A_87 : memref<128xi32, #tpu.memory_space<vmem>>) semaphore(%arg9 : memref<!tpu.dma_semaphore, #tpu.memory_space<semaphore_mem>>)
    %dma_start3A_91 = arith.constant 1 : i32
    %dma_start3A_92 = arith.constant 1 : i32
    %dma_start3A_93 = arith.constant 384 : i32
    %dma_start3A_94 = arith.constant 0 : i32
    %dma_start3A_95 = tpu.memref_slice %arg8[%dma_start3A_92, %dma_start3A_93, %dma_start3A_94] : memref<3x512x32xf32, #tpu.memory_space<vmem>> -> memref<1x128x32xf32, #tpu.memory_space<vmem>>
    %dma_start3A_96 = tpu.memref_squeeze %dma_start3A_95 : memref<1x128x32xf32, #tpu.memory_space<vmem>> -> memref<128x32xf32, #tpu.memory_space<vmem>>
    %dma_start3A_97 = arith.constant 384 : i32
    %dma_start3A_98 = tpu.memref_slice %arg6[%dma_start3A_91, %dma_start3A_97] : memref<26x512xi32, #tpu.memory_space<vmem>> -> memref<1x128xi32, #tpu.memory_space<vmem>>
    %dma_start3A_99 = tpu.memref_squeeze %dma_start3A_98 : memref<1x128xi32, #tpu.memory_space<vmem>> -> memref<128xi32, #tpu.memory_space<vmem>>
    %dma_start3A_100 = arith.constant 0 : i32
    %dma_start3A_101 = arith.constant 0 : i32
    %dma_start3A_102 = tpu.memref_slice %arg4[%dma_start3A_100, %dma_start3A_101] : memref<1048576x32xf32, #tpu.memory_space<hbm>> -> memref<1048576x32xf32, #tpu.memory_space<hbm>>
    tpu.enqueue_indirect_dma source(%dma_start3A_102 : memref<1048576x32xf32, #tpu.memory_space<hbm>>) target(%dma_start3A_96 : memref<128x32xf32, #tpu.memory_space<vmem>>) offsets(%dma_start3A_99 : memref<128xi32, #tpu.memory_space<vmem>>) semaphore(%arg9 : memref<!tpu.dma_semaphore, #tpu.memory_space<semaphore_mem>>)
    %scan3A_103 = arith.constant 0 : i32
    %scan3A_104 = arith.constant 0 : i32
    %scan3A_105 = arith.constant 26 : i32
    %scan3A_106 = arith.addi %scan3A_104, %scan3A_105 : i32
    %scan3A_107 = arith.constant 1 : i32
    scf.for %scan3A_156 = %scan3A_104 to %scan3A_106 step %scan3A_107  : i32 {
      %rem3A = arith.constant 3 : i32
      %rem3A_157 = arith.remsi %scan3A_156, %rem3A : i32
      %add3A_158 = arith.constant 2 : i32
      %add3A_159 = arith.addi %scan3A_156, %add3A_158 : i32
      %lt3A = arith.constant 26 : i32
      %lt3A_160 = arith.cmpi slt, %add3A_159, %lt3A : i32
      %convert_element_type3A = arith.extui %lt3A_160 : i1 to i32
      %cond3A = arith.constant 0 : i32
      %cond3A_161 = arith.cmpi ne, %convert_element_type3A, %cond3A : i32
      scf.if %cond3A_161 {
        %add3A_216 = arith.constant 2 : i32
        %add3A_217 = arith.addi %scan3A_156, %add3A_216 : i32
        %rem3A_218 = arith.constant 3 : i32
        %rem3A_219 = arith.remsi %add3A_217, %rem3A_218 : i32
        %ge3A = arith.constant 1 : i32
        %ge3A_220 = arith.cmpi sge, %scan3A_156, %ge3A : i32
        %convert_element_type3A_221 = arith.extui %ge3A_220 : i1 to i32
        %cond3A_222 = arith.constant 0 : i32
        %cond3A_223 = arith.cmpi ne, %convert_element_type3A_221, %cond3A_222 : i32
        scf.if %cond3A_223 {
          %dma_wait3A_266 = arith.constant 0 : i32
          %dma_wait3A_267 = arith.constant 0 : i32
          %dma_wait3A_268 = arith.constant 0 : i32
          %dma_wait3A_269 = arith.constant 0 : i32
          %dma_wait3A_270 = tpu.memref_slice %arg8[%dma_wait3A_266, %dma_wait3A_268, %dma_wait3A_269] : memref<3x512x32xf32, #tpu.memory_space<vmem>> -> memref<1x512x32xf32, #tpu.memory_space<vmem>>
          %dma_wait3A_271 = tpu.memref_squeeze %dma_wait3A_270 : memref<1x512x32xf32, #tpu.memory_space<vmem>> -> memref<512x32xf32, #tpu.memory_space<vmem>>
          %dma_wait3A_272 = arith.constant 0 : i32
          %dma_wait3A_273 = tpu.memref_slice %arg5[%dma_wait3A_267, %mul3A_2, %dma_wait3A_272] : memref<26x16384x32xf32, #tpu.memory_space<hbm>> -> memref<1x512x32xf32, #tpu.memory_space<hbm>>
          %dma_wait3A_274 = tpu.memref_squeeze %dma_wait3A_273 : memref<1x512x32xf32, #tpu.memory_space<hbm>> -> memref<512x32xf32, #tpu.memory_space<hbm>>
          %dma_wait3A_275 = arith.constant 0 : i32
          %dma_wait3A_276 = tpu.memref_slice %arg5[%dma_wait3A_267, %mul3A_2, %dma_wait3A_275] : memref<26x16384x32xf32, #tpu.memory_space<hbm>> -> memref<1x512x32xf32, #tpu.memory_space<hbm>>
          %dma_wait3A_277 = tpu.memref_squeeze %dma_wait3A_276 : memref<1x512x32xf32, #tpu.memory_space<hbm>> -> memref<512x32xf32, #tpu.memory_space<hbm>>
          %dma_wait3A_278 = arith.constant 0 : i32
          %dma_wait3A_279 = arith.constant 0 : i32
          %dma_wait3A_280 = tpu.memref_slice %arg8[%dma_wait3A_266, %dma_wait3A_278, %dma_wait3A_279] : memref<3x512x32xf32, #tpu.memory_space<vmem>> -> memref<1x512x32xf32, #tpu.memory_space<vmem>>
          %dma_wait3A_281 = tpu.memref_squeeze %dma_wait3A_280 : memref<1x512x32xf32, #tpu.memory_space<vmem>> -> memref<512x32xf32, #tpu.memory_space<vmem>>
          tpu.wait_dma2 semaphore(%arg10 : memref<!tpu.dma_semaphore, #tpu.memory_space<semaphore_mem>>) src(%dma_wait3A_281 : memref<512x32xf32, #tpu.memory_space<vmem>>) dst(%dma_wait3A_277 : memref<512x32xf32, #tpu.memory_space<hbm>>)
        } else {
        }
        %add3A_224 = arith.constant 2 : i32
        %add3A_225 = arith.addi %scan3A_156, %add3A_224 : i32
        %dma_start3A_226 = arith.constant 0 : i32
        %dma_start3A_227 = arith.constant 0 : i32
        %dma_start3A_228 = tpu.memref_slice %arg8[%rem3A_219, %dma_start3A_226, %dma_start3A_227] : memref<3x512x32xf32, #tpu.memory_space<vmem>> -> memref<1x128x32xf32, #tpu.memory_space<vmem>>
        %dma_start3A_229 = tpu.memref_squeeze %dma_start3A_228 : memref<1x128x32xf32, #tpu.memory_space<vmem>> -> memref<128x32xf32, #tpu.memory_space<vmem>>
        %dma_start3A_230 = arith.constant 0 : i32
        %dma_start3A_231 = tpu.memref_slice %arg6[%add3A_225, %dma_start3A_230] : memref<26x512xi32, #tpu.memory_space<vmem>> -> memref<1x128xi32, #tpu.memory_space<vmem>>
        %dma_start3A_232 = tpu.memref_squeeze %dma_start3A_231 : memref<1x128xi32, #tpu.memory_space<vmem>> -> memref<128xi32, #tpu.memory_space<vmem>>
        %dma_start3A_233 = arith.constant 0 : i32
        %dma_start3A_234 = arith.constant 0 : i32
        %dma_start3A_235 = tpu.memref_slice %arg4[%dma_start3A_233, %dma_start3A_234] : memref<1048576x32xf32, #tpu.memory_space<hbm>> -> memref<1048576x32xf32, #tpu.memory_space<hbm>>
        tpu.enqueue_indirect_dma source(%dma_start3A_235 : memref<1048576x32xf32, #tpu.memory_space<hbm>>) target(%dma_start3A_229 : memref<128x32xf32, #tpu.memory_space<vmem>>) offsets(%dma_start3A_232 : memref<128xi32, #tpu.memory_space<vmem>>) semaphore(%arg9 : memref<!tpu.dma_semaphore, #tpu.memory_space<semaphore_mem>>)
        %dma_start3A_236 = arith.constant 128 : i32
        %dma_start3A_237 = arith.constant 0 : i32
        %dma_start3A_238 = tpu.memref_slice %arg8[%rem3A_219, %dma_start3A_236, %dma_start3A_237] : memref<3x512x32xf32, #tpu.memory_space<vmem>> -> memref<1x128x32xf32, #tpu.memory_space<vmem>>
        %dma_start3A_239 = tpu.memref_squeeze %dma_start3A_238 : memref<1x128x32xf32, #tpu.memory_space<vmem>> -> memref<128x32xf32, #tpu.memory_space<vmem>>
        %dma_start3A_240 = arith.constant 128 : i32
        %dma_start3A_241 = tpu.memref_slice %arg6[%add3A_225, %dma_start3A_240] : memref<26x512xi32, #tpu.memory_space<vmem>> -> memref<1x128xi32, #tpu.memory_space<vmem>>
        %dma_start3A_242 = tpu.memref_squeeze %dma_start3A_241 : memref<1x128xi32, #tpu.memory_space<vmem>> -> memref<128xi32, #tpu.memory_space<vmem>>
        %dma_start3A_243 = arith.constant 0 : i32
        %dma_start3A_244 = arith.constant 0 : i32
        %dma_start3A_245 = tpu.memref_slice %arg4[%dma_start3A_243, %dma_start3A_244] : memref<1048576x32xf32, #tpu.memory_space<hbm>> -> memref<1048576x32xf32, #tpu.memory_space<hbm>>
        tpu.enqueue_indirect_dma source(%dma_start3A_245 : memref<1048576x32xf32, #tpu.memory_space<hbm>>) target(%dma_start3A_239 : memref<128x32xf32, #tpu.memory_space<vmem>>) offsets(%dma_start3A_242 : memref<128xi32, #tpu.memory_space<vmem>>) semaphore(%arg9 : memref<!tpu.dma_semaphore, #tpu.memory_space<semaphore_mem>>)
        %dma_start3A_246 = arith.constant 256 : i32
        %dma_start3A_247 = arith.constant 0 : i32
        %dma_start3A_248 = tpu.memref_slice %arg8[%rem3A_219, %dma_start3A_246, %dma_start3A_247] : memref<3x512x32xf32, #tpu.memory_space<vmem>> -> memref<1x128x32xf32, #tpu.memory_space<vmem>>
        %dma_start3A_249 = tpu.memref_squeeze %dma_start3A_248 : memref<1x128x32xf32, #tpu.memory_space<vmem>> -> memref<128x32xf32, #tpu.memory_space<vmem>>
        %dma_start3A_250 = arith.constant 256 : i32
        %dma_start3A_251 = tpu.memref_slice %arg6[%add3A_225, %dma_start3A_250] : memref<26x512xi32, #tpu.memory_space<vmem>> -> memref<1x128xi32, #tpu.memory_space<vmem>>
        %dma_start3A_252 = tpu.memref_squeeze %dma_start3A_251 : memref<1x128xi32, #tpu.memory_space<vmem>> -> memref<128xi32, #tpu.memory_space<vmem>>
        %dma_start3A_253 = arith.constant 0 : i32
        %dma_start3A_254 = arith.constant 0 : i32
        %dma_start3A_255 = tpu.memref_slice %arg4[%dma_start3A_253, %dma_start3A_254] : memref<1048576x32xf32, #tpu.memory_space<hbm>> -> memref<1048576x32xf32, #tpu.memory_space<hbm>>
        tpu.enqueue_indirect_dma source(%dma_start3A_255 : memref<1048576x32xf32, #tpu.memory_space<hbm>>) target(%dma_start3A_249 : memref<128x32xf32, #tpu.memory_space<vmem>>) offsets(%dma_start3A_252 : memref<128xi32, #tpu.memory_space<vmem>>) semaphore(%arg9 : memref<!tpu.dma_semaphore, #tpu.memory_space<semaphore_mem>>)
        %dma_start3A_256 = arith.constant 384 : i32
        %dma_start3A_257 = arith.constant 0 : i32
        %dma_start3A_258 = tpu.memref_slice %arg8[%rem3A_219, %dma_start3A_256, %dma_start3A_257] : memref<3x512x32xf32, #tpu.memory_space<vmem>> -> memref<1x128x32xf32, #tpu.memory_space<vmem>>
        %dma_start3A_259 = tpu.memref_squeeze %dma_start3A_258 : memref<1x128x32xf32, #tpu.memory_space<vmem>> -> memref<128x32xf32, #tpu.memory_space<vmem>>
        %dma_start3A_260 = arith.constant 384 : i32
        %dma_start3A_261 = tpu.memref_slice %arg6[%add3A_225, %dma_start3A_260] : memref<26x512xi32, #tpu.memory_space<vmem>> -> memref<1x128xi32, #tpu.memory_space<vmem>>
        %dma_start3A_262 = tpu.memref_squeeze %dma_start3A_261 : memref<1x128xi32, #tpu.memory_space<vmem>> -> memref<128xi32, #tpu.memory_space<vmem>>
        %dma_start3A_263 = arith.constant 0 : i32
        %dma_start3A_264 = arith.constant 0 : i32
        %dma_start3A_265 = tpu.memref_slice %arg4[%dma_start3A_263, %dma_start3A_264] : memref<1048576x32xf32, #tpu.memory_space<hbm>> -> memref<1048576x32xf32, #tpu.memory_space<hbm>>
        tpu.enqueue_indirect_dma source(%dma_start3A_265 : memref<1048576x32xf32, #tpu.memory_space<hbm>>) target(%dma_start3A_259 : memref<128x32xf32, #tpu.memory_space<vmem>>) offsets(%dma_start3A_262 : memref<128xi32, #tpu.memory_space<vmem>>) semaphore(%arg9 : memref<!tpu.dma_semaphore, #tpu.memory_space<semaphore_mem>>)
      } else {
      }
      %dma_wait3A_162 = arith.constant 0 : i32
      %dma_wait3A_163 = arith.constant 0 : i32
      %dma_wait3A_164 = tpu.memref_slice %arg8[%rem3A_157, %dma_wait3A_162, %dma_wait3A_163] : memref<3x512x32xf32, #tpu.memory_space<vmem>> -> memref<1x128x32xf32, #tpu.memory_space<vmem>>
      %dma_wait3A_165 = tpu.memref_squeeze %dma_wait3A_164 : memref<1x128x32xf32, #tpu.memory_space<vmem>> -> memref<128x32xf32, #tpu.memory_space<vmem>>
      %dma_wait3A_166 = arith.constant 0 : i32
      %dma_wait3A_167 = tpu.memref_slice %arg6[%scan3A_156, %dma_wait3A_166] : memref<26x512xi32, #tpu.memory_space<vmem>> -> memref<1x128xi32, #tpu.memory_space<vmem>>
      %dma_wait3A_168 = tpu.memref_squeeze %dma_wait3A_167 : memref<1x128xi32, #tpu.memory_space<vmem>> -> memref<128xi32, #tpu.memory_space<vmem>>
      %dma_wait3A_169 = arith.constant 0 : i32
      %dma_wait3A_170 = arith.constant 0 : i32
      %dma_wait3A_171 = tpu.memref_slice %arg4[%dma_wait3A_169, %dma_wait3A_170] : memref<1048576x32xf32, #tpu.memory_space<hbm>> -> memref<1048576x32xf32, #tpu.memory_space<hbm>>
      tpu.wait_indirect_dma semaphore(%arg9 : memref<!tpu.dma_semaphore, #tpu.memory_space<semaphore_mem>>) src(%dma_wait3A_171 : memref<1048576x32xf32, #tpu.memory_space<hbm>>) dst(%dma_wait3A_165 : memref<128x32xf32, #tpu.memory_space<vmem>>)
      %dma_wait3A_172 = arith.constant 128 : i32
      %dma_wait3A_173 = arith.constant 0 : i32
      %dma_wait3A_174 = tpu.memref_slice %arg8[%rem3A_157, %dma_wait3A_172, %dma_wait3A_173] : memref<3x512x32xf32, #tpu.memory_space<vmem>> -> memref<1x128x32xf32, #tpu.memory_space<vmem>>
      %dma_wait3A_175 = tpu.memref_squeeze %dma_wait3A_174 : memref<1x128x32xf32, #tpu.memory_space<vmem>> -> memref<128x32xf32, #tpu.memory_space<vmem>>
      %dma_wait3A_176 = arith.constant 128 : i32
      %dma_wait3A_177 = tpu.memref_slice %arg6[%scan3A_156, %dma_wait3A_176] : memref<26x512xi32, #tpu.memory_space<vmem>> -> memref<1x128xi32, #tpu.memory_space<vmem>>
      %dma_wait3A_178 = tpu.memref_squeeze %dma_wait3A_177 : memref<1x128xi32, #tpu.memory_space<vmem>> -> memref<128xi32, #tpu.memory_space<vmem>>
      %dma_wait3A_179 = arith.constant 0 : i32
      %dma_wait3A_180 = arith.constant 0 : i32
      %dma_wait3A_181 = tpu.memref_slice %arg4[%dma_wait3A_179, %dma_wait3A_180] : memref<1048576x32xf32, #tpu.memory_space<hbm>> -> memref<1048576x32xf32, #tpu.memory_space<hbm>>
      tpu.wait_indirect_dma semaphore(%arg9 : memref<!tpu.dma_semaphore, #tpu.memory_space<semaphore_mem>>) src(%dma_wait3A_181 : memref<1048576x32xf32, #tpu.memory_space<hbm>>) dst(%dma_wait3A_175 : memref<128x32xf32, #tpu.memory_space<vmem>>)
      %dma_wait3A_182 = arith.constant 256 : i32
      %dma_wait3A_183 = arith.constant 0 : i32
      %dma_wait3A_184 = tpu.memref_slice %arg8[%rem3A_157, %dma_wait3A_182, %dma_wait3A_183] : memref<3x512x32xf32, #tpu.memory_space<vmem>> -> memref<1x128x32xf32, #tpu.memory_space<vmem>>
      %dma_wait3A_185 = tpu.memref_squeeze %dma_wait3A_184 : memref<1x128x32xf32, #tpu.memory_space<vmem>> -> memref<128x32xf32, #tpu.memory_space<vmem>>
      %dma_wait3A_186 = arith.constant 256 : i32
      %dma_wait3A_187 = tpu.memref_slice %arg6[%scan3A_156, %dma_wait3A_186] : memref<26x512xi32, #tpu.memory_space<vmem>> -> memref<1x128xi32, #tpu.memory_space<vmem>>
      %dma_wait3A_188 = tpu.memref_squeeze %dma_wait3A_187 : memref<1x128xi32, #tpu.memory_space<vmem>> -> memref<128xi32, #tpu.memory_space<vmem>>
      %dma_wait3A_189 = arith.constant 0 : i32
      %dma_wait3A_190 = arith.constant 0 : i32
      %dma_wait3A_191 = tpu.memref_slice %arg4[%dma_wait3A_189, %dma_wait3A_190] : memref<1048576x32xf32, #tpu.memory_space<hbm>> -> memref<1048576x32xf32, #tpu.memory_space<hbm>>
      tpu.wait_indirect_dma semaphore(%arg9 : memref<!tpu.dma_semaphore, #tpu.memory_space<semaphore_mem>>) src(%dma_wait3A_191 : memref<1048576x32xf32, #tpu.memory_space<hbm>>) dst(%dma_wait3A_185 : memref<128x32xf32, #tpu.memory_space<vmem>>)
      %dma_wait3A_192 = arith.constant 384 : i32
      %dma_wait3A_193 = arith.constant 0 : i32
      %dma_wait3A_194 = tpu.memref_slice %arg8[%rem3A_157, %dma_wait3A_192, %dma_wait3A_193] : memref<3x512x32xf32, #tpu.memory_space<vmem>> -> memref<1x128x32xf32, #tpu.memory_space<vmem>>
      %dma_wait3A_195 = tpu.memref_squeeze %dma_wait3A_194 : memref<1x128x32xf32, #tpu.memory_space<vmem>> -> memref<128x32xf32, #tpu.memory_space<vmem>>
      %dma_wait3A_196 = arith.constant 384 : i32
      %dma_wait3A_197 = tpu.memref_slice %arg6[%scan3A_156, %dma_wait3A_196] : memref<26x512xi32, #tpu.memory_space<vmem>> -> memref<1x128xi32, #tpu.memory_space<vmem>>
      %dma_wait3A_198 = tpu.memref_squeeze %dma_wait3A_197 : memref<1x128xi32, #tpu.memory_space<vmem>> -> memref<128xi32, #tpu.memory_space<vmem>>
      %dma_wait3A_199 = arith.constant 0 : i32
      %dma_wait3A_200 = arith.constant 0 : i32
      %dma_wait3A_201 = tpu.memref_slice %arg4[%dma_wait3A_199, %dma_wait3A_200] : memref<1048576x32xf32, #tpu.memory_space<hbm>> -> memref<1048576x32xf32, #tpu.memory_space<hbm>>
      tpu.wait_indirect_dma semaphore(%arg9 : memref<!tpu.dma_semaphore, #tpu.memory_space<semaphore_mem>>) src(%dma_wait3A_201 : memref<1048576x32xf32, #tpu.memory_space<hbm>>) dst(%dma_wait3A_195 : memref<128x32xf32, #tpu.memory_space<vmem>>)
      %dma_start3A_202 = arith.constant 0 : i32
      %dma_start3A_203 = arith.constant 0 : i32
      %dma_start3A_204 = tpu.memref_slice %arg8[%rem3A_157, %dma_start3A_202, %dma_start3A_203] : memref<3x512x32xf32, #tpu.memory_space<vmem>> -> memref<1x512x32xf32, #tpu.memory_space<vmem>>
      %dma_start3A_205 = tpu.memref_squeeze %dma_start3A_204 : memref<1x512x32xf32, #tpu.memory_space<vmem>> -> memref<512x32xf32, #tpu.memory_space<vmem>>
      %dma_start3A_206 = arith.constant 0 : i32
      %dma_start3A_207 = tpu.memref_slice %arg5[%scan3A_156, %mul3A_2, %dma_start3A_206] : memref<26x16384x32xf32, #tpu.memory_space<hbm>> -> memref<1x512x32xf32, #tpu.memory_space<hbm>>
      %dma_start3A_208 = tpu.memref_squeeze %dma_start3A_207 : memref<1x512x32xf32, #tpu.memory_space<hbm>> -> memref<512x32xf32, #tpu.memory_space<hbm>>
      %dma_start3A_209 = arith.constant 0 : i32
      %dma_start3A_210 = tpu.memref_slice %arg5[%scan3A_156, %mul3A_2, %dma_start3A_209] : memref<26x16384x32xf32, #tpu.memory_space<hbm>> -> memref<1x512x32xf32, #tpu.memory_space<hbm>>
      %dma_start3A_211 = tpu.memref_squeeze %dma_start3A_210 : memref<1x512x32xf32, #tpu.memory_space<hbm>> -> memref<512x32xf32, #tpu.memory_space<hbm>>
      %dma_start3A_212 = arith.constant 0 : i32
      %dma_start3A_213 = arith.constant 0 : i32
      %dma_start3A_214 = tpu.memref_slice %arg8[%rem3A_157, %dma_start3A_212, %dma_start3A_213] : memref<3x512x32xf32, #tpu.memory_space<vmem>> -> memref<1x512x32xf32, #tpu.memory_space<vmem>>
      %dma_start3A_215 = tpu.memref_squeeze %dma_start3A_214 : memref<1x512x32xf32, #tpu.memory_space<vmem>> -> memref<512x32xf32, #tpu.memory_space<vmem>>
      tpu.enqueue_dma source(%dma_start3A_215 : memref<512x32xf32, #tpu.memory_space<vmem>>) target(%dma_start3A_211 : memref<512x32xf32, #tpu.memory_space<hbm>>) target_semaphore(%arg10 : memref<!tpu.dma_semaphore, #tpu.memory_space<semaphore_mem>>)
    }
    %scan3A_108 = arith.constant 26 : i32
    %dma_wait3A = arith.constant 0 : i32
    %dma_wait3A_109 = arith.constant 0 : i32
    %dma_wait3A_110 = arith.constant 0 : i32
    %dma_wait3A_111 = arith.constant 0 : i32
    %dma_wait3A_112 = tpu.memref_slice %arg8[%dma_wait3A, %dma_wait3A_110, %dma_wait3A_111] : memref<3x512x32xf32, #tpu.memory_space<vmem>> -> memref<1x512x32xf32, #tpu.memory_space<vmem>>
    %dma_wait3A_113 = tpu.memref_squeeze %dma_wait3A_112 : memref<1x512x32xf32, #tpu.memory_space<vmem>> -> memref<512x32xf32, #tpu.memory_space<vmem>>
    %dma_wait3A_114 = arith.constant 0 : i32
    %dma_wait3A_115 = tpu.memref_slice %arg5[%dma_wait3A_109, %mul3A_2, %dma_wait3A_114] : memref<26x16384x32xf32, #tpu.memory_space<hbm>> -> memref<1x512x32xf32, #tpu.memory_space<hbm>>
    %dma_wait3A_116 = tpu.memref_squeeze %dma_wait3A_115 : memref<1x512x32xf32, #tpu.memory_space<hbm>> -> memref<512x32xf32, #tpu.memory_space<hbm>>
    %dma_wait3A_117 = arith.constant 0 : i32
    %dma_wait3A_118 = tpu.memref_slice %arg5[%dma_wait3A_109, %mul3A_2, %dma_wait3A_117] : memref<26x16384x32xf32, #tpu.memory_space<hbm>> -> memref<1x512x32xf32, #tpu.memory_space<hbm>>
    %dma_wait3A_119 = tpu.memref_squeeze %dma_wait3A_118 : memref<1x512x32xf32, #tpu.memory_space<hbm>> -> memref<512x32xf32, #tpu.memory_space<hbm>>
    %dma_wait3A_120 = arith.constant 0 : i32
    %dma_wait3A_121 = arith.constant 0 : i32
    %dma_wait3A_122 = tpu.memref_slice %arg8[%dma_wait3A, %dma_wait3A_120, %dma_wait3A_121] : memref<3x512x32xf32, #tpu.memory_space<vmem>> -> memref<1x512x32xf32, #tpu.memory_space<vmem>>
    %dma_wait3A_123 = tpu.memref_squeeze %dma_wait3A_122 : memref<1x512x32xf32, #tpu.memory_space<vmem>> -> memref<512x32xf32, #tpu.memory_space<vmem>>
    tpu.wait_dma2 semaphore(%arg10 : memref<!tpu.dma_semaphore, #tpu.memory_space<semaphore_mem>>) src(%dma_wait3A_123 : memref<512x32xf32, #tpu.memory_space<vmem>>) dst(%dma_wait3A_119 : memref<512x32xf32, #tpu.memory_space<hbm>>)
    %dma_wait3A_124 = arith.constant 0 : i32
    %dma_wait3A_125 = arith.constant 0 : i32
    %dma_wait3A_126 = arith.constant 0 : i32
    %dma_wait3A_127 = arith.constant 0 : i32
    %dma_wait3A_128 = tpu.memref_slice %arg8[%dma_wait3A_124, %dma_wait3A_126, %dma_wait3A_127] : memref<3x512x32xf32, #tpu.memory_space<vmem>> -> memref<1x512x32xf32, #tpu.memory_space<vmem>>
    %dma_wait3A_129 = tpu.memref_squeeze %dma_wait3A_128 : memref<1x512x32xf32, #tpu.memory_space<vmem>> -> memref<512x32xf32, #tpu.memory_space<vmem>>
    %dma_wait3A_130 = arith.constant 0 : i32
    %dma_wait3A_131 = tpu.memref_slice %arg5[%dma_wait3A_125, %mul3A_2, %dma_wait3A_130] : memref<26x16384x32xf32, #tpu.memory_space<hbm>> -> memref<1x512x32xf32, #tpu.memory_space<hbm>>
    %dma_wait3A_132 = tpu.memref_squeeze %dma_wait3A_131 : memref<1x512x32xf32, #tpu.memory_space<hbm>> -> memref<512x32xf32, #tpu.memory_space<hbm>>
    %dma_wait3A_133 = arith.constant 0 : i32
    %dma_wait3A_134 = tpu.memref_slice %arg5[%dma_wait3A_125, %mul3A_2, %dma_wait3A_133] : memref<26x16384x32xf32, #tpu.memory_space<hbm>> -> memref<1x512x32xf32, #tpu.memory_space<hbm>>
    %dma_wait3A_135 = tpu.memref_squeeze %dma_wait3A_134 : memref<1x512x32xf32, #tpu.memory_space<hbm>> -> memref<512x32xf32, #tpu.memory_space<hbm>>
    %dma_wait3A_136 = arith.constant 0 : i32
    %dma_wait3A_137 = arith.constant 0 : i32
    %dma_wait3A_138 = tpu.memref_slice %arg8[%dma_wait3A_124, %dma_wait3A_136, %dma_wait3A_137] : memref<3x512x32xf32, #tpu.memory_space<vmem>> -> memref<1x512x32xf32, #tpu.memory_space<vmem>>
    %dma_wait3A_139 = tpu.memref_squeeze %dma_wait3A_138 : memref<1x512x32xf32, #tpu.memory_space<vmem>> -> memref<512x32xf32, #tpu.memory_space<vmem>>
    tpu.wait_dma2 semaphore(%arg10 : memref<!tpu.dma_semaphore, #tpu.memory_space<semaphore_mem>>) src(%dma_wait3A_139 : memref<512x32xf32, #tpu.memory_space<vmem>>) dst(%dma_wait3A_135 : memref<512x32xf32, #tpu.memory_space<hbm>>)
    %dma_wait3A_140 = arith.constant 0 : i32
    %dma_wait3A_141 = arith.constant 0 : i32
    %dma_wait3A_142 = arith.constant 0 : i32
    %dma_wait3A_143 = arith.constant 0 : i32
    %dma_wait3A_144 = tpu.memref_slice %arg8[%dma_wait3A_140, %dma_wait3A_142, %dma_wait3A_143] : memref<3x512x32xf32, #tpu.memory_space<vmem>> -> memref<1x512x32xf32, #tpu.memory_space<vmem>>
    %dma_wait3A_145 = tpu.memref_squeeze %dma_wait3A_144 : memref<1x512x32xf32, #tpu.memory_space<vmem>> -> memref<512x32xf32, #tpu.memory_space<vmem>>
    %dma_wait3A_146 = arith.constant 0 : i32
    %dma_wait3A_147 = tpu.memref_slice %arg5[%dma_wait3A_141, %mul3A_2, %dma_wait3A_146] : memref<26x16384x32xf32, #tpu.memory_space<hbm>> -> memref<1x512x32xf32, #tpu.memory_space<hbm>>
    %dma_wait3A_148 = tpu.memref_squeeze %dma_wait3A_147 : memref<1x512x32xf32, #tpu.memory_space<hbm>> -> memref<512x32xf32, #tpu.memory_space<hbm>>
    %dma_wait3A_149 = arith.constant 0 : i32
    %dma_wait3A_150 = tpu.memref_slice %arg5[%dma_wait3A_141, %mul3A_2, %dma_wait3A_149] : memref<26x16384x32xf32, #tpu.memory_space<hbm>> -> memref<1x512x32xf32, #tpu.memory_space<hbm>>
    %dma_wait3A_151 = tpu.memref_squeeze %dma_wait3A_150 : memref<1x512x32xf32, #tpu.memory_space<hbm>> -> memref<512x32xf32, #tpu.memory_space<hbm>>
    %dma_wait3A_152 = arith.constant 0 : i32
    %dma_wait3A_153 = arith.constant 0 : i32
    %dma_wait3A_154 = tpu.memref_slice %arg8[%dma_wait3A_140, %dma_wait3A_152, %dma_wait3A_153] : memref<3x512x32xf32, #tpu.memory_space<vmem>> -> memref<1x512x32xf32, #tpu.memory_space<vmem>>
    %dma_wait3A_155 = tpu.memref_squeeze %dma_wait3A_154 : memref<1x512x32xf32, #tpu.memory_space<vmem>> -> memref<512x32xf32, #tpu.memory_space<vmem>>
    tpu.wait_dma2 semaphore(%arg10 : memref<!tpu.dma_semaphore, #tpu.memory_space<semaphore_mem>>) src(%dma_wait3A_155 : memref<512x32xf32, #tpu.memory_space<vmem>>) dst(%dma_wait3A_151 : memref<512x32xf32, #tpu.memory_space<hbm>>)
    return
  }
}

module attributes {stable_mosaic.version = 14 : i64} {
  func.func @_untile_body(%arg0: i32, %arg1: memref<32x8192xf32, #tpu.memory_space<vmem>>, %arg2: memref<32x8192xf32, #tpu.memory_space<vmem>>, %arg3: memref<32x8192xf32, #tpu.memory_space<vmem>>, %arg4: memref<32x8192xf32, #tpu.memory_space<vmem>>, %arg5: memref<8192x128xf32, #tpu.memory_space<vmem>>) attributes {dimension_semantics = [#tpu.dimension_semantics<arbitrary>], iteration_bounds = array<i64: 32>, scalar_prefetch = 0 : i64, scratch_operands = 0 : i64, tpu.core_type = #tpu.core_type<tc>, window_params = [{transform_indices = @transform_0, window_bounds = array<i64: 32, 8192>}, {transform_indices = @transform_1, window_bounds = array<i64: 32, 8192>}, {transform_indices = @transform_2, window_bounds = array<i64: 32, 8192>}, {transform_indices = @transform_3, window_bounds = array<i64: 32, 8192>}, {transform_indices = @transform_4, window_bounds = array<i64: 8192, 128>}]} {
    %get3A = arith.constant 0 : index
    %get3A_0 = arith.constant 0 : index
    %get3A_1 = vector.load %arg1[%get3A, %get3A_0] : memref<32x8192xf32, #tpu.memory_space<vmem>>, vector<32x8192xf32>
    %transpose3A = tpu.transpose %get3A_1, [1, 0] : vector<32x8192xf32> -> vector<8192x32xf32>
    %get3A_2 = arith.constant 0 : index
    %get3A_3 = arith.constant 0 : index
    %get3A_4 = vector.load %arg2[%get3A_2, %get3A_3] : memref<32x8192xf32, #tpu.memory_space<vmem>>, vector<32x8192xf32>
    %transpose3A_5 = tpu.transpose %get3A_4, [1, 0] : vector<32x8192xf32> -> vector<8192x32xf32>
    %get3A_6 = arith.constant 0 : index
    %get3A_7 = arith.constant 0 : index
    %get3A_8 = vector.load %arg3[%get3A_6, %get3A_7] : memref<32x8192xf32, #tpu.memory_space<vmem>>, vector<32x8192xf32>
    %transpose3A_9 = tpu.transpose %get3A_8, [1, 0] : vector<32x8192xf32> -> vector<8192x32xf32>
    %get3A_10 = arith.constant 0 : index
    %get3A_11 = arith.constant 0 : index
    %get3A_12 = vector.load %arg4[%get3A_10, %get3A_11] : memref<32x8192xf32, #tpu.memory_space<vmem>>, vector<32x8192xf32>
    %transpose3A_13 = tpu.transpose %get3A_12, [1, 0] : vector<32x8192xf32> -> vector<8192x32xf32>
    %concatenate3A = tpu.concatenate %transpose3A, %transpose3A_5, %transpose3A_9, %transpose3A_13 in 1 : vector<8192x32xf32>, vector<8192x32xf32>, vector<8192x32xf32>, vector<8192x32xf32> -> vector<8192x128xf32>
    %swap3A = arith.constant 0 : index
    %swap3A_14 = arith.constant 0 : index
    %swap3A_15 = vector.load %arg5[%swap3A, %swap3A_14] : memref<8192x128xf32, #tpu.memory_space<vmem>>, vector<8192x128xf32>
    tpu.vector_store %arg5[%swap3A, %swap3A_14], %concatenate3A {strides = array<i32>} : memref<8192x128xf32, #tpu.memory_space<vmem>>, vector<8192x128xf32>,
    return
  }
  func.func @transform_0(%arg0: i32) -> (i32, i32) {
    %add3A = arith.constant 0 : i32
    %add3A_0 = arith.addi %add3A, %arg0 : i32
    %min3A = arith.constant 126 : i32
    %min3A_1 = arith.minsi %add3A_0, %min3A : i32
    %c0_i32 = arith.constant 0 : i32
    %c0_i32_2 = arith.constant 0 : i32
    return %c0_i32, %min3A_1 : i32, i32
  }
  func.func @transform_1(%arg0: i32) -> (i32, i32) {
    %add3A = arith.constant 32 : i32
    %add3A_0 = arith.addi %add3A, %arg0 : i32
    %min3A = arith.constant 126 : i32
    %min3A_1 = arith.minsi %add3A_0, %min3A : i32
    %c0_i32 = arith.constant 0 : i32
    %c0_i32_2 = arith.constant 0 : i32
    return %c0_i32, %min3A_1 : i32, i32
  }
  func.func @transform_2(%arg0: i32) -> (i32, i32) {
    %add3A = arith.constant 64 : i32
    %add3A_0 = arith.addi %add3A, %arg0 : i32
    %min3A = arith.constant 126 : i32
    %min3A_1 = arith.minsi %add3A_0, %min3A : i32
    %c0_i32 = arith.constant 0 : i32
    %c0_i32_2 = arith.constant 0 : i32
    return %c0_i32, %min3A_1 : i32, i32
  }
  func.func @transform_3(%arg0: i32) -> (i32, i32) {
    %add3A = arith.constant 96 : i32
    %add3A_0 = arith.addi %add3A, %arg0 : i32
    %min3A = arith.constant 126 : i32
    %min3A_1 = arith.minsi %add3A_0, %min3A : i32
    %c0_i32 = arith.constant 0 : i32
    %c0_i32_2 = arith.constant 0 : i32
    return %c0_i32, %min3A_1 : i32, i32
  }
  func.func @transform_4(%arg0: i32) -> (i32, i32) {
    %c0_i32 = arith.constant 0 : i32
    %c0_i32_0 = arith.constant 0 : i32
    return %arg0, %c0_i32 : i32, i32
  }
}

</mosaic_0001>

<sc_bundles>
// kernel: _run.4.cloned.1.call-start
scs
__scs_entry_jumppad:
0x0: {  	(pc) =	sbr.rel $0x88, $3  }
0x1: {  	(tag) =	ssettag $0x0;
	lr =	simm.s32 $0x1  }
0x2: {  	[smem:$0x3F9E] =	sst lr;
	_ =	strace $0xD0000000  }
0x3: {  	_ = 	snop  }
0x4: {  	_ = 	snop  }
0x5: {  	_ = 	snop  }
0x6: {  	_ = 	snop  }
0x7: {  	_ = 	snop  }
__scs_overlays_trampoline_lowered:
0x8: {  	[smem:$0x3FAD] =	sst s0  }
0x9: {  	[smem:$0x3FAE] =	sst s1  }
0xa: {  	[smem:$0x3FAF] =	sst s2  }
0xb: {  	[smem:$0x3FB0] =	sst s3  }
0xc: {  	[smem:$0x3FB1] =	sst s4  }
0xd: {  	[smem:$0x3FB2] =	sst s5  }
0xe: {  	[smem:$0x3FB3] =	sst s6  }
0xf: {  	[smem:$0x3FB4] =	sst s7  }
0x10: {  	[smem:$0x3FB5] =	sst s8  }
0x11: {  	[smem:$0x3FB6] =	sst s9;
	s0 =	simm.s32 @!p0 $0x0  }
0x12: {  	s1 =	sld [smem:$0x3F9C];
	s0 =	simm.s32 @p0 $0x1  }
0x13: {  	[smem:$0x3FB7] =	sst s0;
	s0 =	simm.s32 @!p1 $0x0  }
0x14: {  	s2 =	sld [smem:$0x3F9B];
	s0 =	simm.s32 @p1 $0x1  }
0x15: {  	[smem:$0x3FB8] =	sst s0;
	s0 =	simm.s32 @!p2 $0x0  }
0x16: {  	s3 =	sld [smem:$0x3FDB];
	s0 =	simm.s32 @p2 $0x1  }
0x17: {  	s4 =	simm.s32 $0x1BF5;
	[smem:$0x3FBA] =	sst s0  }
0x18: {  	s0 =	sld [smem:$0x3F9D];
	_ =	swait.ge [sflag:s4], $0x0  }
0x19: {  	s7 =	sld [smem:$0x3F9E]  }
0x1a: {  	s8 =	sadd.s32 $0xFFFFE003, lr  }
0x1b: {  	s9 =	sadd.s32 $0xFFFFFEF7, lr;
	s5 =	simm.s32 $0xFFFFFFFF;
	p2 =	slt.u32 s8, $0xFFFFF086  }
0x1c: {  	p1 =	slt.u32 s9, $0xF7A;
	s5 =	simm.s32 @!p2 $0x0  }
0x1d: {  	s5 =	simm.s32 @p1 $0x1;
	p0 =	seq.s32 s7, s2  }
0x1e: {  	s7 =	smul.u32 @!p0 $0xF7A, s2;
	p2 =	seq.s32 @!p0 s5, $0x0  }
0x1f: {  	s9 =	smul.u32 $0xF7A, s1;
	s8 =	simm.s32 @!p0 $0x1BF5;
	p2 =	por !p2, p0  }
0x20: {  	[sflag:s8] =	ssyncset.s32 @!p0 $0xFFFFF086;
	s6 =	sadd.s32 @!p0 s3, s7;
	s7 =	simm.s32 @!p0 $0x108  }
0x21: {  	s3 =	sadd.s32 s3, s9;
	s6 =	sadd.s32 @!p0 $0x88, s6;
	s7 =	simm.s32 @p2 $0x1082  }
0x22: {  	[simem:s7], [sflag:s8] =	dma.local @!p0 [hbm:s6], $0xF7A  }
0x23: {  	s9 =	sor.u32 $0xD0000000, s2;
	s6 =	simm.s32 $0x108;
	_ =	swait.ge @!p0 [sflag:s8], $0x0  }
0x24: {  	s3 =	sadd.s32 $0x88, s3;
	s6 =	simm.s32 @!p1 $0x1082;
	[sflag:s4] =	ssyncset.s32 $0xFFFFF086  }
0x25: {  	[simem:s6], [sflag:s4] =	dma.local [hbm:s3], $0xF7A  }
0x26: {  	[smem:$0x3F9E] =	sst s1;
	(tag) =	ssettag s2;
	_ =	strace s9  }
0x27: {  	s1 =	sld [smem:$0x3FAE]  }
0x28: {  	s2 =	sld [smem:$0x3FAF]  }
0x29: {  	s4 =	sld [smem:$0x3FB1]  }
0x2a: {  	p0 =	seq.s32 s5, $0x0;
	s5 =	sld [smem:$0x3FB2]  }
0x2b: {  	s6 =	sld [smem:$0x3FB3]  }
0x2c: {  	s7 =	sld [smem:$0x3FB4]  }
0x2d: {  	s3 =	simm.s32 $0x108;
	s8 =	sld [smem:$0x3FB5]  }
0x2e: {  	s3 =	simm.s32 @!p0 $0x1082;
	s9 =	sld [smem:$0x3FB6]  }
0x2f: {  	lr =	sadd.s32 s0, s3;
	s0 =	sld [smem:$0x3FAD]  }
0x30: {  	s3 =	sld [smem:$0x3FB0]  }
0x31: {  	[smem:$0x3FB9] =	sst s10  }
0x32: {  	s10 =	sld [smem:$0x3FB7];
	_ =	sdelay $0x3  }
0x33: {  	p0 =	seq.s32 s10, $0x1;
	s10 =	sld [smem:$0x3FB9];
	_ =	sdelay $0x3  }
0x34: {  	[smem:$0x3FB9] =	sst s10  }
0x35: {  	s10 =	sld [smem:$0x3FB8];
	_ =	sdelay $0x3  }
0x36: {  	p1 =	seq.s32 s10, $0x1;
	s10 =	sld [smem:$0x3FB9];
	_ =	sdelay $0x3  }
0x37: {  	[smem:$0x3FB9] =	sst s10  }
0x38: {  	s10 =	sld [smem:$0x3FBA]  }
0x39: {  	_ = 	snop;
	(pc) =	sbr.ind lr, $3  }
0x3a: {  	_ = 	snop  }
0x3b: {  	_ = 	snop  }
0x3c: {  	p2 =	seq.s32 s10, $0x1;
	s10 =	sld [smem:$0x3FB9]  }
0x3d: {  	_ =	shalt  }
0x3e: {  	_ =	shalt  }
0x3f: {  	_ =	shalt  }
0x40: {  	_ =	shalt  }
0x41: {  	_ =	shalt  }
0x42: {  	_ =	shalt  }
0x43: {  	_ =	shalt  }
0x44: {  	_ =	shalt  }
0x45: {  	_ =	shalt  }
0x46: {  	_ =	shalt  }
0x47: {  	_ =	shalt  }
0x48: {  	_ =	shalt  }
0x49: {  	_ =	shalt  }
0x4a: {  	_ =	shalt  }
0x4b: {  	_ =	shalt  }
0x4c: {  	_ =	shalt  }
0x4d: {  	_ =	shalt  }
0x4e: {  	_ =	shalt  }
0x4f: {  	_ =	shalt  }
0x50: {  	_ =	shalt  }
0x51: {  	_ =	shalt  }
0x52: {  	_ =	shalt  }
0x53: {  	_ =	shalt  }
0x54: {  	_ =	shalt  }
0x55: {  	_ =	shalt  }
0x56: {  	_ =	shalt  }
0x57: {  	_ =	shalt  }
0x58: {  	_ =	shalt  }
0x59: {  	_ =	shalt  }
0x5a: {  	_ =	shalt  }
0x5b: {  	_ =	shalt  }
0x5c: {  	_ =	shalt  }
0x5d: {  	_ =	shalt  }
0x5e: {  	_ =	shalt  }
0x5f: {  	_ =	shalt  }
0x60: {  	_ =	shalt  }
0x61: {  	_ =	shalt  }
0x62: {  	_ =	shalt  }
0x63: {  	_ =	shalt  }
0x64: {  	_ =	shalt  }
0x65: {  	_ =	shalt  }
0x66: {  	_ =	shalt  }
0x67: {  	_ =	shalt  }
0x68: {  	_ =	shalt  }
0x69: {  	_ =	shalt  }
0x6a: {  	_ =	shalt  }
0x6b: {  	_ =	shalt  }
0x6c: {  	_ =	shalt  }
0x6d: {  	_ =	shalt  }
0x6e: {  	_ =	shalt  }
0x6f: {  	_ =	shalt  }
0x70: {  	_ =	shalt  }
0x71: {  	_ =	shalt  }
0x72: {  	_ =	shalt  }
0x73: {  	_ =	shalt  }
0x74: {  	_ =	shalt  }
0x75: {  	_ =	shalt  }
0x76: {  	_ =	shalt  }
0x77: {  	_ =	shalt  }
0x78: {  	_ =	shalt  }
0x79: {  	_ =	shalt  }
0x7a: {  	_ =	shalt  }
0x7b: {  	_ =	shalt  }
0x7c: {  	_ =	shalt  }
0x7d: {  	_ =	shalt  }
0x7e: {  	_ =	shalt  }
0x7f: {  	_ =	shalt  }
0x80: {  	_ =	shalt  }
0x81: {  	_ =	shalt  }
0x82: {  	_ =	shalt  }
0x83: {  	_ =	shalt  }
0x84: {  	_ =	shalt  }
0x85: {  	_ =	shalt  }
0x86: {  	_ =	shalt  }
0x87: {  	_ =	shalt  }
.Lfunc_end0:
.L_simem_size_0:
called_computation.1_lowered:
.L_overlay_start_0:
0x88: {  	s2 =	sld [smem:$0x3FD9]  }
0x89: {  	s3 =	sld [smem:$0x3FFE];
	_ =	sdelay $0x1  }
0x8a: {  	s1 =	srdreg.scid  }
0x8b: {  	s0 =	sand.u32 $0x1, s1  }
0x8c: {  	s17 =	sshll.u32 s0, $0xA;
	s2 =	sadd.s32 s3, s2  }
0x8d: {  	s2 =	sadd.s32 s2, s17  }
0x8e: {  	[smem:$0x3FC5] =	sst s2  }
0x8f: {  	_ = 	snop  }
0x90: {  	s2 =	sld [smem:$0x3FD0];
	(tm) =	ssettm $0x1  }
0x91: {  	s18 =	sld [smem:$0x3FFB];
	_ =	sdelay $0x3  }
0x92: {  	_ =	strace s18  }
0x93: {  	s3 =	sld [smem:$0x3FFC];
	_ =	sdelay $0x3  }
0x94: {  	_ =	strace s3  }
0x95: {  	s3 =	sld [smem:$0x3FFD];
	_ =	sdelay $0x3  }
0x96: {  	_ =	strace s3  }
0x97: {  	_ =	strace $0x8FFFFFFF  }
0x98: {  	s19 =	sld [smem:$0x3FDB];
	_ =	sdelay $0x1  }
0x99: {  	s4 =	simm.s32 $_scs_section_size  }
0x9a: {  	s5 =	simm.s32 $_size__tile_overlayer_lowered;
	s6 =	simm.s32 $_tile_overlayer_lowered  }
0x9b: {  	s22 =	simm.s32 $0x1BFF;
	s21 =	sshll.u32 s6, $0x1;
	s3 =	sadd.s32 s4, s19  }
0x9c: {  	s7 =	simm.s32 $0x0;
	s20 =	sshll.u32 s5, $0x1;
	s5 =	sadd.s32 s21, s3  }
0x9d: {  	[timem:s7], [sflag:s22] =	dma.local [hbm:s5], s20  }
0x9e: {  	_ =	swait.ge [sflag:s22], s20  }
0x9f: {  	s4 =	ssub.s32 $0x0, s20;
	[sflag:s22] =	ssyncset.done $0x0  }
0xa0: {  	[sflag:s22] =	ssyncadd.s32 s4;
	_ =	sdelay $0x1  }
0xa1: {  	s23 =	simm.s32 $0x1B8B  }
0xa2: {  	_ =	swait.ge [sflag:s23], $0x1  }
0xa3: {  	[sflag:s23] =	ssyncset.done $0x0  }
0xa4: {  	s25 =	simm.s32 $0x1B8E;
	s24 =	sld [smem:$0x3FFE];
	[sflag:s23] =	ssyncadd.s32 $0xFFFFFFFF  }
0xa5: {  	s26 =	simm.s32 $execute0_lowered;
	[smem:$0x3FD2] =	sst s25  }
0xa6: {  	s5 =	sshll.u32 s26, $0x1;
	_ =	strace $0x80000046;
	[dreg:$0x1] =	wrdreg $0xFFFFFFFF  }
0xa7: {  	s28 =	simm.s32 $_size_execute0_lowered;
	s3 =	sadd.s32 s3, s5;
	[dreg:$0x0] =	wrdreg $0x0  }
0xa8: {  	s5 =	sshll.u32 s28, $0x1;
	[dreg:$0x2] =	wrdreg s3  }
0xa9: {  	[dreg:$0x3] =	wrdreg s5  }
0xaa: {  	[dreg:$0x4] =	wrdreg $0xC0  }
0xab: {  	_ =	task [dreg:s7], $0x5FFFF  }
0xac: {  	[dreg:$0x1] =	wrdreg $0xFFFFFFFF  }
0xad: {  	[dreg:$0x0] =	wrdreg $0x60  }
0xae: {  	[dreg:$0x2] =	wrdreg s24  }
0xaf: {  	[dreg:$0x3] =	wrdreg s2  }
0xb0: {  	[dreg:$0x4] =	wrdreg $0x9  }
0xb1: {  	_ =	task.clear_ibuf [dreg:s7], $0x5FFFF;
	_ =	strace $0x90000046  }
0xb2: {  	s29 =	simm.s32 $0x9;
	_ =	strace $0x80000048  }
0xb3: {  	_ =	swait.ge [sflag:s29], $0x1  }
0xb4: {  	[sflag:s29] =	ssyncadd.s32 $0xFFFFFFFF  }
0xb5: {  	_ =	strace $0x90000048  }
0xb6: {  	_ =	sfence  }
0xb7: {  	s30 =	sld [smem:$0x0];
	_ =	sdelay $0x2  }
0xb8: {  	s31 =	sshll.u32 s1, $0xD;
	s1 =	sshrl.u32 s1, $0x2  }
0xb9: {  	s3 =	sand.u32 $0x4000, s31;
	s1 =	sadd.s32 s1, s30  }
0xba: {  	s0 =	sor.u32 s3, s0;
	s1 =	sshll.u32 s1, $0x11  }
0xbb: {  	s0 =	sor.u32 s1, s0  }
0xbc: {  	s0 =	sadd.s32 $0x8F2B, s0  }
0xbd: {  	[sflag:s0] =	ssyncadd.remote.s32 $0x1  }
0xbe: {  	_ =	sfence.sel $0xFFFF  }
0xbf: {  	[dreg:$0x0] =	wrdreg $0xFFFFFFFF;
	(pc) =	sbr.abs _section_cstart, $3  }
0xc0: {  	[dreg:$0x1] =	wrdreg $0xFFFFFFFF  }
0xc1: {  	_ =	task.clear_ibuf [dreg:s7], $0x2FFFF;
	_ =	strace $0x9FFFFFFF  }
0xc2: {  	(tm) =	ssettm $0x7FFFFFFF  }
0xc3: {  	_ =	shalt  }
tec
execute0_lowered:
.L_overlay_start_1:
0x0: {  	(tag) =	ssettag $0x1  }
0x1: {  	s0 =	rddreg [dreg:$0x0]  }
0x2: {  	s1 =	rddreg [dreg:$0x1];
	s2 =	srdreg.scid  }
0x3: {  	s8 =	stileid.u32;
	s10 =	simm.s32 $0x3;
	s12 =	simm.s32 $0x80  }
0x4: {  	s20 =	simm.s32 $0x280;
	s21 =	simm.s32 $0x85A0;
	s22 =	simm.s32 $0x300  }
0x5: {  	s23 =	simm.s32 $0x95A0;
	s24 =	simm.s32 $0x380;
	s25 =	simm.s32 $0xA5A0  }
0x6: {  	s26 =	simm.s32 $0x1;
	s28 =	simm.s32 $0x2;
	s29 =	simm.s32 $0x0  }
0x7: {  	s5 =	sand.u32 $0x1, s2;
	s2 =	simm.s32 $0x0;
	s3 =	sshll.u32 s8, $0xA  }
0x8: {  	s8 =	sshll.u32 s8, $0xC;
	s4 =	sshll.u32 s5, $0x9;
	[smem:$0x7FF] =	sst s2  }
0x9: {  	s7 =	ssub.s32 $0x2, s5;
	s1 =	sadd.s32 s8, s1;
	s31 =	sshll.u32 s5, $0xB  }
0xa: {  	s8 =	simm.s32 $0x200;
	s3 =	sor.u32 s4, s3;
	_ =	strace $0x80000047  }
0xb: {  	s4 =	sadd.s32 $0xDA00, s0;
	s30 =	sshrl.u32 s7, $0x1;
	s3 =	sshrl.u32 s3, $0x3  }
0xc: {  	s6 =	sadd.s32 s3, s0;
	s3 =	sadd.s32 $0x800, s0;
	s0 =	ssub.s32 s7, s30  }
0xd: {  	s15 =	sadd.s32 s31, s1;
	s5 =	sadd.s32 $0xA00, s6;
	s6 =	smax.u32 s0, $0x1  }
.LBB2_1:
0xe: {  	s0 =	simm.s32 $0x4000  }
0xf: {  	[tilespmem:s2], [sflag:$0x3] =	stream.strided.gather [hbm4b:s5+s8], $0x3400, s0, s8, $0x38;
	[tilespmem:$0xF5A0] =	vst v63  }
0x10: {  	_ =	swait.ge [sflag:s10], $0x3400  }
0x11: {  	[sflag:s10] =	ssyncset.done $0x0  }
0x12: {  	s31 =	simm.s32 $0x3400;
	[sflag:s10] =	ssyncadd.s32 $0xFFFFCC00  }
0x13: {  	[tilespmem:s31], [sflag:$0x3] =	stream.linear.gather [hbm4b:s3+s2], $0x1A0, $0x38;
	[tilespmem:$0xF5A0] =	vst v63  }
0x14: {  	_ =	swait.ge [sflag:s10], $0x1A0  }
0x15: {  	[sflag:s10] =	ssyncset.done $0x0  }
0x16: {  	s1 =	simm.s32 $0x0;
	s0 =	simm.s32 $0x0;
	[sflag:s10] =	ssyncadd.s32 $0xFFFFFE60  }
.LBB2_2:
0x17: {  	v0 =	vmov s0;
	_ =	sdelay $0x1  }
0x18: {  	s7 =	sshll.u32 s1, $0x4  }
0x19: {  	s7 =	sand.u32 $0x3FFFFFF0, s7  }
0x1a: {  	s9 =	simm.s32 $0x40;
	v1 =	vld [tilespmem:s7+$0x3400];
	s7 =	simm.s32 $0x0  }
.LBB2_3:
0x1b: {  	p0 =	sne.s32 s9, $0x7C0;
	v2 =	vld.idx.msk [tilespmem:v0+s7+$0x0 ss:$0x1], $0xffff;
	_ =	sdelay $0x5  }
.Ltmp0:
0x1c: {  	v2 =	vadd.s32 v1, v2;
	(pc) =	sbr.rel @p0 .LBB2_3-.Ltmp0, $4  }
0x1d: {  	v3 =	vshll.u32 v2, $0x2  }
0x1e: {  	v2 =	vshra.s32 v2, $0x12;
	v3 =	vand.u32 $0xFFFFC, v3  }
0x1f: {  	v2 =	vadd.s32 v2, v3  }
0x20: {  	[tilespmem:v0+s7+$0x0 ss:$0x1] =	vst.idx.msk $0xffff, v2;
	s7 =	sshra.s32 s9, $0x2;
	s9 =	sadd.s32 $0x40, s9  }
0x21: {  	_ =	sdelay $0x3  }
0x22: {  	v2 =	vld.idx.msk [tilespmem:v0+s7+$0x0 ss:$0x1], $0xffff;
	_ =	sdelay $0x2  }
0x23: {  	s1 =	sadd.s32 $0x1, s1  }
0x24: {  	p0 =	sne.s32 s1, $0x1A  }
.Ltmp1:
0x25: {  	v1 =	vadd.s32 v1, v2;
	(pc) =	sbr.rel @p0 .LBB2_2-.Ltmp1, $4  }
0x26: {  	v2 =	vshll.u32 v1, $0x2  }
0x27: {  	v1 =	vshra.s32 v1, $0x12;
	v2 =	vand.u32 $0xFFFFC, v2  }
0x28: {  	v1 =	vadd.s32 v1, v2  }
0x29: {  	s0 =	sadd.s32 $0x200, s0;
	[tilespmem:v0+s7+$0x0 ss:$0x1] =	vst.idx.msk $0xffff, v1  }
0x2a: {  	s0 =	simm.s32 $0x0;
	s1 =	simm.s32 $0x35A0  }
0x2b: {  	[tilespmem:s1], [sflag:$0x1] =	stream.indirect.gather [hbm4b:s4+s12], $0x20, s0, s12, $0xb8;
	[tilespmem:$0xF5A0] =	vst v63  }
0x2c: {  	s7 =	simm.s32 $0x45A0;
	s9 =	simm.s32 $0x100  }
0x2d: {  	[tilespmem:s7], [sflag:$0x1] =	stream.indirect.gather [hbm4b:s4+s12], $0x20, s12, s12, $0xb8;
	[tilespmem:$0xF5A0] =	vst v63  }
0x2e: {  	s11 =	simm.s32 $0x55A0;
	p0 =	por $0x0, $0x0;
	s0 =	simm.s32 $0x2  }
0x2f: {  	[tilespmem:s11], [sflag:$0x1] =	stream.indirect.gather [hbm4b:s4+s12], $0x20, s9, s12, $0xb8;
	[tilespmem:$0xF5A0] =	vst v63  }
0x30: {  	s13 =	simm.s32 $0x180;
	s14 =	simm.s32 $0x65A0;
	s0 =	smul.u32 @!p0 $0xAB, s0  }
0x31: {  	[tilespmem:s14], [sflag:$0x1] =	stream.indirect.gather [hbm4b:s4+s12], $0x20, s13, s12, $0xb8;
	[tilespmem:$0xF5A0] =	vst v63  }
0x32: {  	s16 =	simm.s32 $0x75A0;
	s0 =	sshrl.u32 @!p0 s0, $0x9  }
0x33: {  	[tilespmem:s16], [sflag:$0x1] =	stream.indirect.gather [hbm4b:s4+s12], $0x20, s8, s12, $0xb8;
	[tilespmem:$0xF5A0] =	vst v63  }
0x34: {  	p1 =	por @!p0 $0x1, $0x1;
	s0 =	sand.u32 @!p0 $0x7F, s0  }
0x35: {  	[tilespmem:s21], [sflag:$0x1] =	stream.indirect.gather [hbm4b:s4+s12], $0x20, s20, s12, $0xb8;
	[tilespmem:$0xF5A0] =	vst v63  }
0x36: {  	p1 =	por p1, p0;
	s0 =	smul.u32 @!p0 $0x3, s0  }
0x37: {  	[tilespmem:s23], [sflag:$0x1] =	stream.indirect.gather [hbm4b:s4+s12], $0x20, s22, s12, $0xb8;
	[tilespmem:$0xF5A0] =	vst v63  }
0x38: {  	s17 =	simm.s32 $0x0;
	s7 =	simm.s32 @!p1 $0x2;
	s0 =	ssub.s32 @!p0 $0x2, s0  }
0x39: {  	[tilespmem:s25], [sflag:$0x1] =	stream.indirect.gather [hbm4b:s4+s12], $0x20, s24, s12, $0xb8;
	[tilespmem:$0xF5A0] =	vst v63  }
0x3a: {  	s1 =	smul.u32 $0xAB, s17;
	s0 =	sand.u32 @!p0 $0xFF, s0;
	_ =	swait.ge @!p1 [sflag:s7], $0x4000  }
0x3b: {  	s9 =	simm.s32 @!p0 $0x400;
	s0 =	sshll.u32 @!p0 s0, $0xE;
	[sflag:s7] =	ssyncset.done @!p1 $0x0  }
0x3c: {  	s11 =	simm.s32 @!p0 $0x80;
	[sflag:s7] =	ssyncadd.s32 @!p1 $0xFFFFC000;
	s7 =	sor.u32 @!p0 $0x35A0, s0  }
0x3d: {  	[tilespmem:s7], [sflag:$0x1] =	stream.indirect.gather @!p0 [hbm4b:s4+s11], $0x20, s9, s11, $0xb8;
	[tilespmem:$0xF5A0] =	vst v63  }
0x3e: {  	s1 =	sshrl.u32 s1, $0x9;
	s7 =	simm.s32 @!p0 $0x480;
	s9 =	sadd.s32 @!p0 $0x45A0, s0  }
0x3f: {  	[tilespmem:s9], [sflag:$0x1] =	stream.indirect.gather @!p0 [hbm4b:s4+s11], $0x20, s7, s11, $0xb8;
	[tilespmem:$0xF5A0] =	vst v63  }
0x40: {  	s1 =	sand.u32 $0x7F, s1;
	s7 =	simm.s32 @!p0 $0x500;
	s9 =	sadd.s32 @!p0 $0x55A0, s0  }
0x41: {  	[tilespmem:s9], [sflag:$0x1] =	stream.indirect.gather @!p0 [hbm4b:s4+s11], $0x20, s7, s11, $0xb8;
	[tilespmem:$0xF5A0] =	vst v63  }
0x42: {  	s1 =	smul.u32 $0x3, s1;
	s0 =	sadd.s32 @!p0 $0x65A0, s0;
	s7 =	simm.s32 @!p0 $0x580  }
0x43: {  	[tilespmem:s0], [sflag:$0x1] =	stream.indirect.gather @!p0 [hbm4b:s4+s11], $0x20, s7, s11, $0xb8;
	[tilespmem:$0xF5A0] =	vst v63  }
0x44: {  	_ =	swait.ge [sflag:s26], $0x1000  }
0x45: {  	s18 =	ssub.s32 $0x0, s1;
	[sflag:s26] =	ssyncset.done $0x0  }
0x46: {  	s30 =	sadd.s32 $0x10000, s15;
	s1 =	sand.u32 $0xFF, s18;
	[sflag:s26] =	ssyncadd.s32 $0xFFFFF000  }
0x47: {  	s31 =	simm.s32 $0x1;
	s19 =	sshll.u32 s1, $0xE;
	_ =	swait.ge [sflag:s26], $0x1000  }
0x48: {  	s1 =	simm.s32 $0x3;
	s16 =	sor.u32 $0x35A0, s19;
	[sflag:s26] =	ssyncset.done $0x0  }
0x49: {  	s9 =	smul.u32 $0xAB, s31;
	p0 =	por $0x0, $0x0;
	[sflag:s26] =	ssyncadd.s32 $0xFFFFF000  }
0x4a: {  	s0 =	simm.s32 $0x1000;
	s7 =	smul.u32 @!p0 $0xAB, s1;
	_ =	swait.ge [sflag:s26], $0x1000  }
0x4b: {  	p1 =	por @!p0 $0x0, $0x0;
	s17 =	simm.s32 @!p0 $0x200;
	[sflag:s26] =	ssyncset.done $0x0  }
0x4c: {  	s14 =	simm.s32 @!p0 $0x600;
	s13 =	simm.s32 @!p0 $0x680;
	[sflag:s26] =	ssyncadd.s32 $0xFFFFF000  }
0x4d: {  	s11 =	simm.s32 @!p0 $0x700;
	s7 =	sshrl.u32 @!p0 s7, $0x9;
	_ =	swait.ge [sflag:s26], $0x1000  }
0x4e: {  	p1 =	por p1, p0;
	s7 =	sand.u32 @!p0 $0x7F, s7;
	[sflag:s26] =	ssyncset.done $0x0  }
0x4f: {  	s18 =	smul.u32 @!p0 $0x3, s7;
	s7 =	smov.u32 s15;
	[sflag:s26] =	ssyncadd.s32 $0xFFFFF000  }
.LBB2_6:
0x50: {  	[hbm4b:s7+s2] =	stream.linear.scatter [tilespmem:s16], [sflag:$0x2], $0x4000, $0x38;
	[tilespmem:$0xF5A0] =	vst v63  }
0x51: {  	s16 =	simm.s32 @!p1 $0x2;
	s17 =	sadd.s32 @!p0 $0x580, s17;
	s7 =	ssub.s32 @!p0 s1, s18  }
0x52: {  	s9 =	sshrl.u32 s9, $0x9;
	s7 =	sand.u32 @!p0 $0xFF, s7;
	_ =	swait.ge @!p1 [sflag:s16], $0x4000  }
0x53: {  	s18 =	simm.s32 @!p0 $0x80;
	[sflag:s16] =	ssyncset.done @!p1 $0x0;
	s7 =	sshll.u32 @!p0 s7, $0xE  }
0x54: {  	[sflag:s16] =	ssyncadd.s32 @!p1 $0xFFFFC000;
	s16 =	sor.u32 @!p0 $0x35A0, s7;
	s19 =	sadd.s32 @!p0 $0x45A0, s7  }
0x55: {  	[tilespmem:s16], [sflag:$0x1] =	stream.indirect.gather @!p0 [hbm4b:s4+s18], $0x20, s14, s18, $0xb8;
	[tilespmem:$0xF5A0] =	vst v63  }
0x56: {  	s9 =	sand.u32 $0x7F, s9;
	s14 =	sadd.s32 @!p0 $0x55A0, s7;
	s16 =	sadd.s32 @!p0 $0x65A0, s7  }
0x57: {  	[tilespmem:s19], [sflag:$0x1] =	stream.indirect.gather @!p0 [hbm4b:s4+s18], $0x20, s13, s18, $0xb8;
	[tilespmem:$0xF5A0] =	vst v63  }
0x58: {  	s7 =	smul.u32 $0x3, s9;
	s13 =	smov.u32 s0;
	s0 =	sadd.s32 $0x800, s0  }
0x59: {  	[tilespmem:s14], [sflag:$0x1] =	stream.indirect.gather @!p0 [hbm4b:s4+s18], $0x20, s11, s18, $0xb8;
	[tilespmem:$0xF5A0] =	vst v63  }
0x5a: {  	s9 =	ssub.s32 s31, s7;
	s7 =	smov.u32 s30;
	p2 =	sne.s32 s0, $0xD000  }
0x5b: {  	[tilespmem:s16], [sflag:$0x1] =	stream.indirect.gather @!p0 [hbm4b:s4+s18], $0x20, s17, s18, $0xb8;
	[tilespmem:$0xF5A0] =	vst v63  }
0x5c: {  	s9 =	sand.u32 $0xFF, s9;
	_ =	swait.ge [sflag:s26], $0x1000  }
0x5d: {  	s9 =	sshll.u32 s9, $0xE;
	[sflag:s26] =	ssyncset.done $0x0  }
0x5e: {  	[sflag:s26] =	ssyncadd.s32 $0xFFFFF000  }
0x5f: {  	s1 =	sadd.s32 $0x1, s1;
	s30 =	sadd.s32 $0x10000, s30;
	_ =	swait.ge [sflag:s26], $0x1000  }
0x60: {  	s31 =	sadd.s32 $0xFFFFFFFE, s1;
	s16 =	sor.u32 $0x35A0, s9;
	[sflag:s26] =	ssyncset.done $0x0  }
0x61: {  	s9 =	smul.u32 $0xAB, s31;
	p0 =	sgt.u32 s31, $0x17;
	[sflag:s26] =	ssyncadd.s32 $0xFFFFF000  }
0x62: {  	s11 =	smul.u32 @!p0 $0xAB, s1;
	_ =	swait.ge [sflag:s26], $0x1000  }
.Ltmp2:
0x63: {  	p1 =	seq.s32 @!p0 s13, $0x0;
	[sflag:s26] =	ssyncset.done $0x0;
	(pc) =	sbr.rel @p2 .LBB2_6-.Ltmp2, $4  }
0x64: {  	s17 =	sshra.s32 @!p0 s13, $0x2;
	p1 =	por p1, p0;
	[sflag:s26] =	ssyncadd.s32 $0xFFFFF000  }
0x65: {  	s14 =	sadd.s32 @!p0 $0x400, s17;
	s11 =	sshrl.u32 @!p0 s11, $0x9;
	_ =	swait.ge [sflag:s26], $0x1000  }
0x66: {  	s13 =	sadd.s32 @!p0 $0x480, s17;
	s11 =	sand.u32 @!p0 $0x7F, s11;
	[sflag:s26] =	ssyncset.done $0x0  }
0x67: {  	s18 =	smul.u32 @!p0 $0x3, s11;
	s11 =	sadd.s32 @!p0 $0x500, s17;
	[sflag:s26] =	ssyncadd.s32 $0xFFFFF000  }
0x68: {  	[hbm4b:s7+s2] =	stream.linear.scatter [tilespmem:s16], [sflag:$0x2], $0x4000, $0x38;
	[tilespmem:$0xF5A0] =	vst v63  }
0x69: {  	s0 =	ssub.s32 @!p0 s1, s18;
	s1 =	simm.s32 @!p1 $0x2  }
0x6a: {  	s0 =	sand.u32 @!p0 $0xFF, s0;
	_ =	swait.ge @!p1 [sflag:s1], $0x4000  }
0x6b: {  	[sflag:s1] =	ssyncset.done @!p1 $0x0;
	s0 =	sshll.u32 @!p0 s0, $0xE  }
0x6c: {  	s7 =	simm.s32 @!p0 $0x80;
	[sflag:s1] =	ssyncadd.s32 @!p1 $0xFFFFC000;
	s1 =	sor.u32 @!p0 $0x35A0, s0  }
0x6d: {  	[tilespmem:s1], [sflag:$0x1] =	stream.indirect.gather @!p0 [hbm4b:s4+s7], $0x20, s14, s7, $0xb8;
	[tilespmem:$0xF5A0] =	vst v63  }
0x6e: {  	s1 =	sadd.s32 @!p0 $0x45A0, s0  }
0x6f: {  	[tilespmem:s1], [sflag:$0x1] =	stream.indirect.gather @!p0 [hbm4b:s4+s7], $0x20, s13, s7, $0xb8;
	[tilespmem:$0xF5A0] =	vst v63  }
0x70: {  	s1 =	sadd.s32 @!p0 $0x55A0, s0  }
0x71: {  	[tilespmem:s1], [sflag:$0x1] =	stream.indirect.gather @!p0 [hbm4b:s4+s7], $0x20, s11, s7, $0xb8;
	[tilespmem:$0xF5A0] =	vst v63  }
0x72: {  	s0 =	sadd.s32 @!p0 $0x65A0, s0;
	s1 =	sadd.s32 @!p0 $0x580, s17  }
0x73: {  	[tilespmem:s0], [sflag:$0x1] =	stream.indirect.gather @!p0 [hbm4b:s4+s7], $0x20, s1, s7, $0xb8;
	[tilespmem:$0xF5A0] =	vst v63  }
0x74: {  	_ =	swait.ge [sflag:s26], $0x1000  }
0x75: {  	[sflag:s26] =	ssyncset.done $0x0  }
0x76: {  	[sflag:s26] =	ssyncadd.s32 $0xFFFFF000  }
0x77: {  	_ =	swait.ge [sflag:s26], $0x1000  }
0x78: {  	s19 =	sshrl.u32 s9, $0x9;
	[sflag:s26] =	ssyncset.done $0x0  }
0x79: {  	s0 =	sand.u32 $0x7F, s19;
	[sflag:s26] =	ssyncadd.s32 $0xFFFFF000  }
0x7a: {  	s0 =	smul.u32 $0x3, s0;
	_ =	swait.ge [sflag:s26], $0x1000  }
0x7b: {  	[sflag:s26] =	ssyncset.done $0x0  }
0x7c: {  	s0 =	ssub.s32 s31, s0;
	[sflag:s26] =	ssyncadd.s32 $0xFFFFF000  }
0x7d: {  	s0 =	sand.u32 $0xFF, s0;
	_ =	swait.ge [sflag:s26], $0x1000  }
0x7e: {  	s0 =	sshll.u32 s0, $0xE;
	[sflag:s26] =	ssyncset.done $0x0  }
0x7f: {  	s0 =	sor.u32 $0x35A0, s0;
	[sflag:s26] =	ssyncadd.s32 $0xFFFFF000  }
0x80: {  	[hbm4b:s30+s2] =	stream.linear.scatter [tilespmem:s0], [sflag:$0x2], $0x4000, $0x38;
	[tilespmem:$0xF5A0] =	vst v63  }
0x81: {  	_ =	swait.ge [sflag:s28], $0x4000  }
0x82: {  	[sflag:s28] =	ssyncset.done $0x0  }
0x83: {  	s29 =	sadd.s32 $0x1, s29;
	[sflag:s28] =	ssyncadd.s32 $0xFFFFC000  }
0x84: {  	p0 =	sne.s32 s29, s6;
	_ =	swait.ge [sflag:s28], $0x4000  }
.Ltmp3:
0x85: {  	[sflag:s28] =	ssyncset.done $0x0;
	(pc) =	sbr.rel @p0 .LBB2_1-.Ltmp3, $4  }
0x86: {  	[sflag:s28] =	ssyncadd.s32 $0xFFFFC000  }
0x87: {  	_ =	swait.ge [sflag:s28], $0x4000  }
0x88: {  	[sflag:s28] =	ssyncset.done $0x0  }
0x89: {  	[sflag:s28] =	ssyncadd.s32 $0xFFFFC000  }
0x8a: {  	_ =	sfence.sel $0x180000  }
0x8b: {  	[bflag:$0x0] =	sbarrier.arrive $0xFFFF  }
0x8c: {  	_ =	strace $0x90000047  }
0x8d: {  	s0 =	stileid.u32;
	[bflag:$0x2] =	sbarrier.arrive $0xFFFF  }
0x8e: {  	p0 =	sne.s32 s0, $0x0;
	s0 =	rddreg [dreg:$0x2]  }
0x8f: {  	s0 =	sadd.s32 @!p0 $0x100000, s0  }
0x90: {  	[sflag:s0] =	ssyncadd.tile.s32 @!p0 $0x1;
	_ =	shalt  }
.Lfunc_end2:
_tile_overlayer_lowered:
.L_overlay_start_2:
0x91: {  	(tag) =	ssettag $0x2  }
0x92: {  	s0 =	rddreg [dreg:$0x0];
	s2 =	stileid.u32  }
0x93: {  	s1 =	rddreg [dreg:$0x1];
	p0 =	sne.s32 s2, $0x0  }
0x94: {  	s3 =	rddreg [dreg:$0x2];
	[bflag:$0x3] =	sbarrier.arrive $0xFFFF;
	s2 =	simm.s32 @!p0 $0x1C03  }
0x95: {  	[timem:s3], [sflag:s2] =	dma.local @!p0 [hbm:s0], s1  }
0x96: {  	s0 =	simm.s32 @!p0 $0x3  }
0x97: {  	_ =	swait.ge @!p0 [sflag:s0], s1  }
0x98: {  	s1 =	ssub.s32 @!p0 $0x0, s1;
	[sflag:s0] =	ssyncset.done @!p0 $0x0  }
0x99: {  	[sflag:s0] =	ssyncadd.s32 @!p0 s1  }
0x9a: {  	[bflag:$0x3] =	sbarrier.arrive $0xFFFF  }
0x9b: {  	_ =	shalt  }

// kernel: sparse-core-data-format-call.cloned.1.call-start
scs
called_computation_lowered:
.L_overlay_start_0:
0x0: {  	s2 =	sld [smem:$0x3FD9]  }
0x1: {  	s3 =	sld [smem:$0x3FFE];
	_ =	sdelay $0x1  }
0x2: {  	s1 =	srdreg.scid  }
0x3: {  	s0 =	sand.u32 $0x1, s1  }
0x4: {  	s18 =	sshll.u32 s0, $0xA;
	s2 =	sadd.s32 s3, s2  }
0x5: {  	s2 =	sadd.s32 s2, s18  }
0x6: {  	[smem:$0x3FC5] =	sst s2  }
0x7: {  	_ = 	snop  }
0x8: {  	s2 =	sld [smem:$0x3FD0];
	(tm) =	ssettm $0x1  }
0x9: {  	s19 =	sld [smem:$0x3FFB];
	_ =	sdelay $0x3  }
0xa: {  	_ =	strace s19  }
0xb: {  	s3 =	sld [smem:$0x3FFC];
	_ =	sdelay $0x3  }
0xc: {  	_ =	strace s3  }
0xd: {  	s3 =	sld [smem:$0x3FFD];
	_ =	sdelay $0x3  }
0xe: {  	_ =	strace s3  }
0xf: {  	_ =	strace $0x8FFFFFFF  }
0x10: {  	s20 =	sld [smem:$0x3FDB];
	_ =	sdelay $0x1  }
0x11: {  	s4 =	simm.s32 $_scs_section_size  }
0x12: {  	s5 =	simm.s32 $_size__tile_overlayer_lowered;
	s6 =	simm.s32 $_tile_overlayer_lowered  }
0x13: {  	s23 =	simm.s32 $0x1BFF;
	s22 =	sshll.u32 s6, $0x1;
	s3 =	sadd.s32 s4, s20  }
0x14: {  	s7 =	simm.s32 $0x0;
	s21 =	sshll.u32 s5, $0x1;
	s5 =	sadd.s32 s22, s3  }
0x15: {  	[timem:s7], [sflag:s23] =	dma.local [hbm:s5], s21  }
0x16: {  	_ =	swait.ge [sflag:s23], s21  }
0x17: {  	s4 =	ssub.s32 $0x0, s21;
	[sflag:s23] =	ssyncset.done $0x0  }
0x18: {  	[sflag:s23] =	ssyncadd.s32 s4;
	_ =	sdelay $0x1  }
0x19: {  	s24 =	simm.s32 $0x1B8B  }
0x1a: {  	_ =	swait.ge [sflag:s24], $0x1  }
0x1b: {  	[sflag:s24] =	ssyncset.done $0x0  }
0x1c: {  	s26 =	simm.s32 $0x1B8E;
	s25 =	sld [smem:$0x3FFE];
	[sflag:s24] =	ssyncadd.s32 $0xFFFFFFFF  }
0x1d: {  	s27 =	simm.s32 $execute0_lowered;
	[smem:$0x3FD2] =	sst s26  }
0x1e: {  	s5 =	sshll.u32 s27, $0x1;
	_ =	strace $0x80000049;
	[dreg:$0x1] =	wrdreg $0xFFFFFFFF  }
0x1f: {  	s28 =	simm.s32 $_size_execute0_lowered;
	s3 =	sadd.s32 s3, s5;
	[dreg:$0x0] =	wrdreg $0x0  }
0x20: {  	s5 =	sshll.u32 s28, $0x1;
	[dreg:$0x2] =	wrdreg s3  }
0x21: {  	[dreg:$0x3] =	wrdreg s5  }
0x22: {  	[dreg:$0x4] =	wrdreg $0xC0  }
0x23: {  	_ =	task [dreg:s7], $0x5FFFF  }
0x24: {  	[dreg:$0x1] =	wrdreg $0xFFFFFFFF  }
0x25: {  	[dreg:$0x0] =	wrdreg $0x60  }
0x26: {  	[dreg:$0x2] =	wrdreg s25  }
0x27: {  	[dreg:$0x3] =	wrdreg s2  }
0x28: {  	[dreg:$0x4] =	wrdreg $0x9  }
0x29: {  	_ =	task.clear_ibuf [dreg:s7], $0x5FFFF;
	_ =	strace $0x90000049  }
0x2a: {  	s29 =	simm.s32 $0x9;
	_ =	strace $0x8000004B  }
0x2b: {  	_ =	swait.ge [sflag:s29], $0x1  }
0x2c: {  	[sflag:s29] =	ssyncadd.s32 $0xFFFFFFFF  }
0x2d: {  	_ =	strace $0x9000004B  }
0x2e: {  	_ =	sfence  }
0x2f: {  	s30 =	sld [smem:$0x0];
	_ =	sdelay $0x2  }
0x30: {  	s31 =	sshll.u32 s1, $0xD;
	s1 =	sshrl.u32 s1, $0x2  }
0x31: {  	s3 =	sand.u32 $0x4000, s31;
	s1 =	sadd.s32 s1, s30  }
0x32: {  	s0 =	sor.u32 s3, s0;
	s1 =	sshll.u32 s1, $0x11  }
0x33: {  	s0 =	sor.u32 s1, s0  }
0x34: {  	s0 =	sadd.s32 $0x8F2B, s0  }
0x35: {  	[sflag:s0] =	ssyncadd.remote.s32 $0x1  }
0x36: {  	_ =	sfence.sel $0xFFFF  }
0x37: {  	[dreg:$0x0] =	wrdreg $0xFFFFFFFF;
	(pc) =	sbr.abs _section_cstart, $3  }
0x38: {  	[dreg:$0x1] =	wrdreg $0xFFFFFFFF  }
0x39: {  	_ =	task.clear_ibuf [dreg:s7], $0x2FFFF;
	_ =	strace $0x9FFFFFFF  }
0x3a: {  	(tm) =	ssettm $0x7FFFFFFF  }
0x3b: {  	_ =	shalt  }
tec
execute0_lowered:
.L_overlay_start_1:
0x0: {  	(tag) =	ssettag $0x1  }
0x1: {  	s0 =	srdreg.scid  }
0x2: {  	s1 =	sshll.u32 s0, $0x4  }
0x3: {  	s0 =	stileid.u32;
	s1 =	sand.u32 $0x10, s1  }
0x4: {  	s7 =	rddreg [dreg:$0x0];
	s1 =	sor.u32 s0, s1  }
0x5: {  	s4 =	simm.s32 $0x1;
	s8 =	simm.s32 $0x2;
	s2 =	sshll.u32 s1, $0x7  }
0x6: {  	s13 =	simm.s32 $0x0;
	s9 =	simm.s32 $0x20000;
	s1 =	ssub.s32 $0x4000, s2  }
0x7: {  	s14 =	simm.s32 $0x0;
	s11 =	simm.s32 $0x0;
	s3 =	sand.u32 $0xF80, s1  }
0x8: {  	s12 =	simm.s32 $0x0;
	s5 =	sshrl.u32 s1, $0xC;
	p0 =	sne.s32 s3, $0x0  }
.Ltmp0:
0x9: {  	s1 =	rddreg [dreg:$0x2];
	s4 =	simm.s32 @!p0 $0x0;
	(pc) =	sbr.rel .LBB1_1-.Ltmp0, $4  }
0xa: {  	s6 =	sadd.s32 $0x800, s7;
	s3 =	rddreg [dreg:$0x1];
	s5 =	sadd.s32 s4, s5  }
0xb: {  	_ =	strace $0x8000004A;
	s4 =	simm.s32 $0x1;
	s5 =	smul.u32 $0xD, s5  }
0xc: {  	s7 =	sadd.s32 $0x40800, s7;
	s10 =	smov.u32 s2;
	[sflag:s4] =	ssyncpa.u1 $0x0  }
0xd: {  	p0 =	por $0x0, $0x0;
	[sflag:s8] =	ssyncpa.u1 $0x0;
	s8 =	sadd.s32 $0x1, s5  }
.LBB1_7:
0xe: {  	s15 =	sadd.s32 $0x1000, s10  }
0xf: {  	s13 =	sadd.s32 $0x2, s11;
	s17 =	smov.u32 s11;
	p2 =	sgt.s32 s15, $0x3FFF  }
0x10: {  	s17 =	smov.u32 @p2 s13  }
0x11: {  	s15 =	smov.u32 @p2 s2;
	p2 =	sgt.s32 s17, $0x19  }
0x12: {  	s17 =	simm.s32 @p2 $0x0;
	p2 =	sne.s32 s12, s8  }
.Ltmp1:
0x13: {  	p1 =	slt.u32 s12, $0x2;
	(pc) =	sbr.rel @!p2 .LBB1_8-.Ltmp1, $4  }
0x14: {  	s16 =	simm.s32 @!p1 $0x2  }
0x15: {  	s14 =	smov.u32 s11;
	p0 =	por !p0, !p0;
	_ =	swait.ge @!p1 [sflag:s16], $0x2000  }
0x16: {  	s13 =	smov.u32 s10;
	[sflag:s16] =	ssyncset.done @!p1 $0x0;
	s10 =	smov.u32 s15  }
0x17: {  	s12 =	sadd.s32 $0x1, s12;
	[sflag:s16] =	ssyncadd.s32 @!p1 $0xFFFFE000;
	s11 =	smov.u32 s17  }
.LBB1_1:
0x18: {  	p1 =	sge.u32 s12, s5  }
0x19: {  	s15 =	sxor.u32 @!p1 $0xFFFFFFFF, s12;
	s16 =	sshll.u32 @!p1 s11, $0x12  }
0x1a: {  	s17 =	sshll.u32 @!p1 s10, $0x4;
	s19 =	simm.s32 @!p1 $0x20;
	s20 =	simm.s32 @!p1 $0x80  }
0x1b: {  	s15 =	sshll.u32 @!p1 s15, $0xD;
	s17 =	sand.u32 @!p1 $0x3FFF0, s17;
	s18 =	sadd.s32 @!p1 s6, s16  }
0x1c: {  	s16 =	sadd.s32 @!p1 s16, s7;
	s15 =	sand.u32 @!p1 $0x2000, s15;
	s18 =	sadd.s32 @!p1 s17, s18  }
0x1d: {  	[tilespmem:s15], [sflag:$0x1] =	stream.strided.gather @!p1 [hbm4b:s18+s19], $0x1000, s20, s19, $0x38;
	[tilespmem:$0x8080] =	vst v63  }
0x1e: {  	s31 =	sadd.s32 $0xFFFFFFFF, s12;
	s16 =	sadd.s32 @!p1 s17, s16;
	s15 =	sor.u32 @!p1 $0x1000, s15  }
0x1f: {  	[tilespmem:s15], [sflag:$0x1] =	stream.strided.gather @!p1 [hbm4b:s16+s19], $0x1000, s20, s19, $0x38;
	[tilespmem:$0x8080] =	vst v63  }
0x20: {  	p1 =	sge.u32 s31, s5  }
.Ltmp2:
0x21: {  	_ = 	snop;
	(pc) =	sbr.rel @p1 .LBB1_7-.Ltmp2, $1  }
0x22: {  	_ =	sdelay $0x3  }
0x23: {  	s15 =	simm.s32 $0x1;
	s17 =	sand.u32 $0x1, s12  }
0x24: {  	_ =	swait.ge [sflag:s4], $0x2000;
	s15 =	simm.s32 @!p0 $0x0;
	s17 =	smul.u32 $0x8100, s17  }
0x25: {  	p2 =	por $0x1, $0x1;
	[sflag:s4] =	ssyncset.done $0x0;
	s16 =	smul.u32 $0x8100, s15  }
0x26: {  	s18 =	sshll.u32 s15, $0xF;
	[sflag:s4] =	ssyncadd.s32 $0xFFFFE000;
	s30 =	sshrl.u32 s17, $0x2  }
0x27: {  	s31 =	sshrl.u32 s18, $0x2;
	s18 =	simm.s32 $0x0;
	s16 =	sshrl.u32 s16, $0x2  }
0x28: {  	s15 =	sor.u32 $0x4000, s30;
	s17 =	sadd.s32 $0x10, s31;
	s16 =	sor.u32 $0x4000, s16  }
.LBB1_3:
0x29: {  	s19 =	sshll.u32 s18, $0xC  }
0x2a: {  	s19 =	sand.u32 $0x3FFFF000, s19  }
0x2b: {  	s20 =	sadd.s32 s19, s17  }
0x2c: {  	s31 =	smul.u32 $0x4080, s18;
	v1 =	vld [tilespmem:s20+$0x0]  }
0x2d: {  	v0 =	vld [tilespmem:s20+$0xFFFFFFF0]  }
0x2e: {  	s18 =	sshra.s32 s31, $0x2  }
0x2f: {  	s18 =	sadd.s32 s18, s16  }
0x30: {  	s21 =	sadd.s32 $0x0, s18  }
0x31: {  	p1 =	por p2, p2;
	s19 =	simm.s32 $0x4;
	s20 =	sadd.s32 $0x20, s20;
	[tilespmem:s21+$0x810 ss:$0x81] =	vst.msk $0xffff, v1  }
.LBB1_4:
0x32: {  	v1 =	vld [tilespmem:s20+$0x0];
	p2 =	sne.s32 s19, $0x1FC;
	[tilespmem:s21+$0x0 ss:$0x81] =	vst.msk $0xffff, v0;
	s21 =	smov.u32 s19;
	s19 =	sadd.s32 $0x4, s19  }
.Ltmp3:
0x33: {  	v0 =	vld [tilespmem:s20+$0xFFFFFFF0];
	(pc) =	sbr.rel @p2 .LBB1_4-.Ltmp3, $4  }
0x34: {  	_ = 	snop  }
0x35: {  	s21 =	sshra.s32 s21, $0x2  }
0x36: {  	s21 =	sadd.s32 s21, s18  }
0x37: {  	s20 =	sadd.s32 $0x20, s20;
	[tilespmem:s21+$0x810 ss:$0x81] =	vst.msk $0xffff, v1  }
.Ltmp4:
0x38: {  	(pc) =	sbr.rel @p1 .LBB1_3-.Ltmp4, $2  }
0x39: {  	_ =	sdelay $0x2  }
0x3a: {  	[tilespmem:s21+$0x0 ss:$0x81] =	vst.msk $0xffff, v0;
	s18 =	simm.s32 $0x1;
	p2 =	por $0x0, $0x0  }
0x3b: {  	s16 =	sshll.u32 s13, $0x3;
	s17 =	sand.u32 $0x78, s13;
	s14 =	sshll.u32 s14, $0x10  }
.Ltmp5:
0x3c: {  	s30 =	sand.u32 $0xF800, s13;
	s16 =	sand.u32 $0x3C00, s16;
	(pc) =	sbr.rel .LBB1_7-.Ltmp5, $4  }
0x3d: {  	s31 =	sand.u32 $0x7, s13;
	s14 =	sadd.s32 s3, s14;
	s16 =	sor.u32 s17, s16  }
0x3e: {  	s13 =	sshll.u32 s31, $0x12;
	s14 =	sadd.s32 s30, s14;
	s16 =	sshrl.u32 s16, $0x3  }
0x3f: {  	s13 =	sor.u32 $0x400, s13;
	s14 =	sadd.s32 s16, s14  }
0x40: {  	[hbm4b:s14+s13] =	stream.strided.scatter [tilespmem:s15], [sflag:$0x2], $0x2000, s9, s13, $0x20;
	[tilespmem:$0x8080] =	vst v63  }
.LBB1_8:
0x41: {  	_ =	sfence.sel $0x180000  }
0x42: {  	s2 =	simm.s32 $0x1;
	[bflag:$0x0] =	sbarrier.arrive $0xFFFF  }
0x43: {  	s31 =	simm.s32 $0x2;
	[sflag:s2] =	ssyncpa.u1 $0x1  }
0x44: {  	[sflag:s31] =	ssyncpa.u1 $0x1  }
0x45: {  	p0 =	sne.s32 s0, $0x0;
	_ =	strace $0x9000004A  }
0x46: {  	s0 =	sadd.s32 @!p0 $0x100000, s1;
	[bflag:$0x2] =	sbarrier.arrive $0xFFFF  }
0x47: {  	[sflag:s0] =	ssyncadd.tile.s32 @!p0 $0x1;
	_ =	shalt  }
.Lfunc_end1:
_tile_overlayer_lowered:
.L_overlay_start_2:
0x48: {  	(tag) =	ssettag $0x2  }
0x49: {  	s0 =	rddreg [dreg:$0x0];
	s2 =	stileid.u32  }
0x4a: {  	s1 =	rddreg [dreg:$0x1];
	p0 =	sne.s32 s2, $0x0  }
0x4b: {  	s3 =	rddreg [dreg:$0x2];
	[bflag:$0x3] =	sbarrier.arrive $0xFFFF;
	s2 =	simm.s32 @!p0 $0x1C01  }
0x4c: {  	[timem:s3], [sflag:s2] =	dma.local @!p0 [hbm:s0], s1  }
0x4d: {  	s0 =	simm.s32 @!p0 $0x1  }
0x4e: {  	_ =	swait.ge @!p0 [sflag:s0], s1  }
0x4f: {  	s1 =	ssub.s32 @!p0 $0x0, s1;
	[sflag:s0] =	ssyncset.done @!p0 $0x0  }
0x50: {  	[sflag:s0] =	ssyncadd.s32 @!p0 s1  }
0x51: {  	[bflag:$0x3] =	sbarrier.arrive $0xFFFF  }
0x52: {  	_ =	shalt  }

</sc_bundles>
